<compile_context>
chip_gen: v7x
topology: tpu7x:2x2x1
jax: 0.10.2.dev20260603
libtpu: 0.0.44.dev20260713+nightly
codegen_flags: <defaults>
</compile_context>

<pallas_src>
import functools

import jax
import jax.numpy as jnp
from jax import lax
from jax.experimental import pallas as pl
from jax.experimental.pallas import tpu as pltpu
from jax.experimental.pallas import tpu_sc as plsc

D = 64
NW = 32
CHUNK = 128
ROW_BLOCK = 8192
LN_BLOCK = 2048


def _proj1_body(t0, w0, o0):
    dn = (((1,), (1,)), ((), ()))
    o0[...] = lax.dot_general(t0[...], w0[...], dn, preferred_element_type=jnp.float32)


def _project_big(tables, ws):
    n = tables[0].shape[0]
    grid = (n + ROW_BLOCK - 1) // ROW_BLOCK
    tspec = pl.BlockSpec((ROW_BLOCK, D), lambda i: (i, 0))
    wspec = pl.BlockSpec((D, D), lambda i: (0, 0))
    outs = []
    for t, w in zip(tables, ws):
        outs.append(pl.pallas_call(
            _proj1_body,
            grid=(grid,),
            in_specs=[tspec, wspec],
            out_specs=tspec,
            out_shape=jax.ShapeDtypeStruct((n, D), jnp.float32),
        )(t, w))
    return outs


def _proj_small_body(cat, sea, wc, ws, wd, dw, db, cb, oc, os_, ou, ocst):
    dn = (((1,), (1,)), ((), ()))
    oc[...] = lax.dot_general(cat[...], wc[...], dn, preferred_element_type=jnp.float32)
    os_[...] = lax.dot_general(sea[...], ws[...], dn, preferred_element_type=jnp.float32)
    ou[...] = lax.dot_general(dw[...], wd[...], dn, preferred_element_type=jnp.float32)
    ocst[...] = lax.dot_general(db[...], wd[...], dn, preferred_element_type=jnp.float32) + cb[...]


def _project_small(cat, sea, wc, ws, wd, days_w, days_b, comb_b):
    nc, ns = cat.shape[0], sea.shape[0]
    return pl.pallas_call(
        _proj_small_body,
        out_shape=[
            jax.ShapeDtypeStruct((nc, D), jnp.float32),
            jax.ShapeDtypeStruct((ns, D), jnp.float32),
            jax.ShapeDtypeStruct((1, D), jnp.float32),
            jax.ShapeDtypeStruct((1, D), jnp.float32),
        ],
    )(cat, sea, wc, ws, wd, days_w.reshape(1, D), days_b.reshape(1, D),
      comb_b.reshape(1, D))


GROUP = 40
NBUF = 4


def _sc_body(ntok, pa, pp, pv, pc, idx3, out,
             idxg, r0, r1, r2, r3,
             g0, g1, g2, g3, o0, o1, o2, o3):
    rows = [r0, r1, r2, r3]
    gsem = [g0, g1, g2, g3]
    osem = [o0, o1, o2, o3]
    tbls = [pa, pp, pv, pc]
    wid = lax.axis_index("s") * 2 + lax.axis_index("c")
    chunks_per_tile = ntok // NW // CHUNK
    ngroup = chunks_per_tile // GROUP
    zv = jnp.zeros((16,), jnp.float32)

    def zero_buf(rb):
        def zr(r, carry):
            for q in range(D // 16):
                rb[r, pl.ds(q * 16, 16)] = zv
            return carry
        lax.fori_loop(0, CHUNK, zr, 0, unroll=False)

    def issue(c, b):
        for t in range(4):
            pltpu.async_copy(tbls[t].at[idxg.at[c, t]], rows[b], gsem[b],
                             add=True)

    def wait_gathers(b):
        for _ in range(4):
            pltpu.make_async_copy(pa.at[pl.ds(0, CHUNK)], rows[b], gsem[b]).wait()

    def wait_store(b):
        pltpu.make_async_copy(rows[b], out.at[pl.ds(0, CHUNK)], osem[b]).wait()

    def group_body(g, carry):
        grow = wid * chunks_per_tile + g * GROUP
        pltpu.sync_copy(idx3.at[pl.ds(grow, GROUP)], idxg)

        for k in range(NBUF - 1):
            zero_buf(rows[k])
            issue(k, k)

        def step(c4, carry2):
            for b in range(NBUF):
                c = NBUF * c4 + b
                wait_gathers(b)
                pltpu.async_copy(rows[b], out.at[pl.ds((grow + c) * CHUNK, CHUNK)],
                                 osem[b])
                nb = (b + NBUF - 1) % NBUF
                pc = c + NBUF - 1

                @pl.when(pc < GROUP)
                def _prep():
                    @pl.when(c >= 1)
                    def _ws():
                        wait_store(nb)
                    zero_buf(rows[nb])
                    issue(pc, nb)
            return carry2

        lax.fori_loop(0, GROUP // NBUF, step, 0, unroll=False)
        for b in range(NBUF):
            wait_store(b)
        return carry

    lax.fori_loop(0, ngroup, group_body, 0, unroll=False)


def _sc_gather_sum(ntok, pa, pp, pv, pc, idx3):
    mesh = plsc.VectorSubcoreMesh(core_axis_name="c", subcore_axis_name="s",
                                  num_cores=2, num_subcores=16)
    return pl.kernel(
        functools.partial(_sc_body, ntok),
        out_type=jax.ShapeDtypeStruct((ntok, D), jnp.float32),
        mesh=mesh,
        compiler_params=pltpu.CompilerParams(use_tc_tiling_on_sc=False),
        scratch_types=[
            pltpu.VMEM((GROUP, 4, CHUNK), jnp.int32),
            pltpu.VMEM((CHUNK, D), jnp.float32),
            pltpu.VMEM((CHUNK, D), jnp.float32),
            pltpu.VMEM((CHUNK, D), jnp.float32),
            pltpu.VMEM((CHUNK, D), jnp.float32),
            pltpu.SemaphoreType.DMA,
            pltpu.SemaphoreType.DMA,
            pltpu.SemaphoreType.DMA,
            pltpu.SemaphoreType.DMA,
            pltpu.SemaphoreType.DMA,
            pltpu.SemaphoreType.DMA,
            pltpu.SemaphoreType.DMA,
            pltpu.SemaphoreType.DMA,
        ],
    )(pa, pp, pv, pc, idx3)


def _ln_body(s_ref, d_ref, sid_ref, ps_ref, u_ref, g_ref, b_ref, o_ref):
    ones = jnp.ones((1, 1, D), jnp.float32)
    d3 = d_ref[...][..., None] * ones
    sid3 = sid_ref[...].astype(jnp.float32)[..., None] * ones
    x = s_ref[...] + d3 * u_ref[...][None]
    for k in range(ps_ref.shape[0]):
        x = x + jnp.where(sid3 == float(k), ps_ref[k, :][None, None, :], 0.0)
    mu = jnp.mean(x, axis=2, keepdims=True)
    xc = x - mu
    var = jnp.mean(xc * xc, axis=2, keepdims=True)
    y = xc * lax.rsqrt(var + 1e-5)
    o_ref[...] = y * g_ref[...][None] + b_ref[...][None]


def _ln(s, days2, sea2, psea, u, ln_g, ln_b):
    ntok = s.shape[0]
    nrow = ntok // CHUNK
    rb = LN_BLOCK // CHUNK
    grid = nrow // rb
    s3 = s.reshape(nrow, CHUNK, D)
    vspec = pl.BlockSpec((1, D), lambda i: (0, 0))
    out = pl.pallas_call(
        _ln_body,
        grid=(grid,),
        in_specs=[
            pl.BlockSpec((rb, CHUNK, D), lambda i: (i, 0, 0)),
            pl.BlockSpec((rb, CHUNK), lambda i: (i, 0)),
            pl.BlockSpec((rb, CHUNK), lambda i: (i, 0)),
            pl.BlockSpec((5, D), lambda i: (0, 0)),
            vspec, vspec, vspec,
        ],
        out_specs=pl.BlockSpec((rb, CHUNK, D), lambda i: (i, 0, 0)),
        out_shape=jax.ShapeDtypeStruct((nrow, CHUNK, D), jnp.float32),
    )(s3, days2, sea2, psea, u, ln_g.reshape(1, D), ln_b.reshape(1, D))
    return out.reshape(ntok, D)


def kernel(actions, params, values, categories, days_since_prev, seasons,
           action_table, param_table, value_table, category_table, season_table,
           days_w, days_b, comb_W, comb_b, ln_g, ln_b):
    B, L = actions.shape
    ntok = B * L

    nrow = ntok // CHUNK
    idx3 = jnp.stack(
        [actions.reshape(nrow, CHUNK).astype(jnp.int32),
         params.reshape(nrow, CHUNK).astype(jnp.int32),
         values.reshape(nrow, CHUNK).astype(jnp.int32),
         categories.reshape(nrow, CHUNK).astype(jnp.int32)], axis=1)
    sea2 = seasons.reshape(nrow, CHUNK).astype(jnp.int32)
    days2 = days_since_prev.reshape(nrow, CHUNK)

    w_a = comb_W[:, 0 * D:1 * D]
    w_p = comb_W[:, 1 * D:2 * D]
    w_v = comb_W[:, 2 * D:3 * D]
    w_c = comb_W[:, 3 * D:4 * D]
    w_d = comb_W[:, 4 * D:5 * D]
    w_s = comb_W[:, 5 * D:6 * D]

    pa, pp, pv = _project_big((action_table, param_table, value_table),
                              (w_a, w_p, w_v))
    pc, psea, u, cvec = _project_small(category_table, season_table,
                                       w_c, w_s, w_d, days_w, days_b, comb_b)

    s = _sc_gather_sum(ntok, pa, pp, pv, pc, idx3)
    psea2 = psea + cvec
    out = _ln(s, days2, sea2, psea2, u, ln_g, ln_b)
    return out.reshape(B, L, D)

# --- scband reference (transcript-rebuilt; emitter-appended) ---
"""Pipeline reference for scband-complex-event-embedding-66245575573893 (READ-ONLY COPY).

The authoritative reference and input builder live on the scoring server;
editing this copy changes nothing except your own understanding.
"""

import jax, jax.numpy as jnp
import numpy as np

N_ACTIONS = 100000
N_PARAMS = 100000
N_VALUES = 100000
N_CATEGORIES = 1000
N_SEASONS = 4
D = 64
B, L = 4096, 200


def setup_inputs(seed: int = 0) -> dict:
    key = jax.random.key(seed)
    ks = jax.random.split(key, 16)
    inp = {}
    inp['actions'] = jax.random.randint(ks[0], (B, L), 0, N_ACTIONS + 1, dtype=jnp.int32).astype(jnp.int64)
    inp['params'] = jax.random.randint(ks[1], (B, L), 0, N_PARAMS + 1, dtype=jnp.int32).astype(jnp.int64)
    inp['values'] = jax.random.randint(ks[2], (B, L), 0, N_VALUES + 1, dtype=jnp.int32).astype(jnp.int64)
    inp['categories'] = jax.random.randint(ks[3], (B, L), 0, N_CATEGORIES + 1, dtype=jnp.int32).astype(jnp.int64)
    inp['days_since_prev'] = jax.random.uniform(ks[4], (B, L), dtype=jnp.float32)
    inp['seasons'] = jax.random.randint(ks[5], (B, L), 0, N_SEASONS + 1, dtype=jnp.int32).astype(jnp.int64)
    # learned parameters (padding row 0 zeroed like nn.Embedding padding_idx=0)
    def table(k, n):
        t = jax.random.normal(k, (n + 1, D), dtype=jnp.float32) * 0.02
        return t.at[0].set(0.0)
    inp['action_table'] = table(ks[6], N_ACTIONS)
    inp['param_table'] = table(ks[7], N_PARAMS)
    inp['value_table'] = table(ks[8], N_VALUES)
    inp['category_table'] = table(ks[9], N_CATEGORIES)
    inp['season_table'] = table(ks[10], N_SEASONS)
    inp['days_w'] = jax.random.normal(ks[11], (D,), dtype=jnp.float32) * 0.02  # Linear(1, D) weight squeezed
    inp['days_b'] = jnp.zeros((D,), dtype=jnp.float32)
    inp['comb_W'] = jax.random.normal(ks[12], (D, 6 * D), dtype=jnp.float32) * 0.02
    inp['comb_b'] = jnp.zeros((D,), dtype=jnp.float32)
    inp['ln_g'] = jnp.ones((D,), dtype=jnp.float32)
    inp['ln_b'] = jnp.zeros((D,), dtype=jnp.float32)
    return inp


def reference(actions, params, values, categories, days_since_prev, seasons,
              action_table, param_table, value_table, category_table, season_table,
              days_w, days_b, comb_W, comb_b, ln_g, ln_b):
    action_emb = jnp.take(action_table, actions, axis=0)
    param_emb = jnp.take(param_table, params, axis=0)
    value_emb = jnp.take(value_table, values, axis=0)
    category_emb = jnp.take(category_table, categories, axis=0)
    season_emb = jnp.take(season_table, seasons, axis=0)
    days_emb = days_since_prev[..., None] * days_w + days_b  # Linear(1, D)
    combined = jnp.concatenate([action_emb, param_emb, value_emb, category_emb, days_emb, season_emb], axis=-1)
    projected = combined @ comb_W.T + comb_b
    # dropout is identity in eval mode
    mean = jnp.mean(projected, axis=-1, keepdims=True)
    var = jnp.var(projected, axis=-1, keepdims=True)
    normed = (projected - mean) / jnp.sqrt(var + 1e-5)
    return normed * ln_g + ln_b

if __name__ == "__main__":
    import jax
    _d = setup_inputs()
    print(jax.jit(kernel)(*tuple(_d.values())))

</pallas_src>

<mosaic_0001>
#map = affine_map<(d0, d1) -> (0, 0)>
#map1 = affine_map<(d0, d1) -> (0, 0, 0)>
module attributes {stable_mosaic.version = 14 : i64} {
  func.func @_sc_body(%arg0: i32, %arg1: i32, %arg2: memref<100001x64xf32, #tpu.memory_space<hbm>>, %arg3: memref<100001x64xf32, #tpu.memory_space<hbm>>, %arg4: memref<100001x64xf32, #tpu.memory_space<hbm>>, %arg5: memref<1001x64xf32, #tpu.memory_space<hbm>>, %arg6: memref<6400x4x128xi32, #tpu.memory_space<hbm>>, %arg7: memref<819200x64xf32, #tpu.memory_space<hbm>>, %arg8: memref<40x4x128xi32, #tpu.memory_space<vmem>>, %arg9: memref<128x64xf32, #tpu.memory_space<vmem>>, %arg10: memref<128x64xf32, #tpu.memory_space<vmem>>, %arg11: memref<128x64xf32, #tpu.memory_space<vmem>>, %arg12: memref<128x64xf32, #tpu.memory_space<vmem>>, %arg13: memref<!tpu.dma_semaphore, #tpu.memory_space<semaphore_mem>>, %arg14: memref<!tpu.dma_semaphore, #tpu.memory_space<semaphore_mem>>, %arg15: memref<!tpu.dma_semaphore, #tpu.memory_space<semaphore_mem>>, %arg16: memref<!tpu.dma_semaphore, #tpu.memory_space<semaphore_mem>>, %arg17: memref<!tpu.dma_semaphore, #tpu.memory_space<semaphore_mem>>, %arg18: memref<!tpu.dma_semaphore, #tpu.memory_space<semaphore_mem>>, %arg19: memref<!tpu.dma_semaphore, #tpu.memory_space<semaphore_mem>>, %arg20: memref<!tpu.dma_semaphore, #tpu.memory_space<semaphore_mem>>) attributes {dimension_semantics = [#tpu.dimension_semantics<core_parallel>, #tpu.dimension_semantics<subcore_parallel>], iteration_bounds = array<i64: 2, 16>, scalar_prefetch = 0 : i64, scratch_operands = 13 : i64, tpu.core_type = #tpu.core_type<sc_vector_subcore>, window_params = [{transform_indices = #map}, {transform_indices = #map}, {transform_indices = #map}, {transform_indices = #map}, {transform_indices = #map1}, {transform_indices = #map}]} {
    %mul3A = arith.constant 2 : i32
    %mul3A_0 = arith.muli %arg1, %mul3A : i32
    %add3A = arith.addi %mul3A_0, %arg0 : i32
    %broadcast_in_dim3A = arith.constant 0.000000e+00 : f32
    %broadcast_in_dim3A_1 = vector.broadcast %broadcast_in_dim3A : f32 to vector<16xf32>
    %scan3A = arith.constant 0 : i32
    %scan3A_2 = arith.constant 0 : i32
    %scan3A_3 = arith.constant 5 : i32
    %scan3A_4 = arith.addi %scan3A_2, %scan3A_3 : i32
    %scan3A_5 = arith.constant 1 : i32
    scf.for %scan3A_7 = %scan3A_2 to %scan3A_4 step %scan3A_5  : i32 {
      %mul3A_8 = arith.constant 200 : i32
      %mul3A_9 = arith.muli %add3A, %mul3A_8 : i32
      %mul3A_10 = arith.constant 40 : i32
      %mul3A_11 = arith.muli %scan3A_7, %mul3A_10 : i32
      %add3A_12 = arith.addi %mul3A_9, %mul3A_11 : i32
      "tpu.region"() ({
        %run_scoped3A = tpu.sem_alloc : memref<!tpu.dma_semaphore, #tpu.memory_space<semaphore_mem>>
        %dma_start3A_155 = arith.constant 0 : i32
        %dma_start3A_156 = arith.constant 0 : i32
        %dma_start3A_157 = tpu.memref_slice %arg6[%add3A_12, %dma_start3A_155, %dma_start3A_156] : memref<6400x4x128xi32, #tpu.memory_space<hbm>> -> memref<40x4x128xi32, #tpu.memory_space<hbm>>
        %dma_start3A_158 = arith.constant 0 : i32
        %dma_start3A_159 = arith.constant 0 : i32
        %dma_start3A_160 = tpu.memref_slice %arg6[%add3A_12, %dma_start3A_158, %dma_start3A_159] : memref<6400x4x128xi32, #tpu.memory_space<hbm>> -> memref<40x4x128xi32, #tpu.memory_space<hbm>>
        tpu.enqueue_dma source(%dma_start3A_160 : memref<40x4x128xi32, #tpu.memory_space<hbm>>) target(%arg8 : memref<40x4x128xi32, #tpu.memory_space<vmem>>) target_semaphore(%run_scoped3A : memref<!tpu.dma_semaphore, #tpu.memory_space<semaphore_mem>>)
        %dma_wait3A_161 = arith.constant 0 : i32
        %dma_wait3A_162 = arith.constant 0 : i32
        %dma_wait3A_163 = tpu.memref_slice %arg6[%add3A_12, %dma_wait3A_161, %dma_wait3A_162] : memref<6400x4x128xi32, #tpu.memory_space<hbm>> -> memref<40x4x128xi32, #tpu.memory_space<hbm>>
        %dma_wait3A_164 = arith.constant 0 : i32
        %dma_wait3A_165 = arith.constant 0 : i32
        %dma_wait3A_166 = tpu.memref_slice %arg6[%add3A_12, %dma_wait3A_164, %dma_wait3A_165] : memref<6400x4x128xi32, #tpu.memory_space<hbm>> -> memref<40x4x128xi32, #tpu.memory_space<hbm>>
        tpu.wait_dma2 semaphore(%run_scoped3A : memref<!tpu.dma_semaphore, #tpu.memory_space<semaphore_mem>>) src(%dma_wait3A_166 : memref<40x4x128xi32, #tpu.memory_space<hbm>>) dst(%arg8 : memref<40x4x128xi32, #tpu.memory_space<vmem>>)
        tpu.yield
      }) : () -> ()
      %scan3A_13 = arith.constant 0 : i32
      %scan3A_14 = arith.constant 0 : i32
      %scan3A_15 = arith.constant 128 : i32
      %scan3A_16 = arith.addi %scan3A_14, %scan3A_15 : i32
      %scan3A_17 = arith.constant 1 : i32
      scf.for %scan3A_155 = %scan3A_14 to %scan3A_16 step %scan3A_17  : i32 {
        %swap3A = arith.index_cast %scan3A_155 : i32 to index
        %swap3A_156 = arith.constant 0 : index
        %swap3A_157 = tpu.vector_load %arg9[%swap3A, %swap3A_156] {strides = array<i32>} : memref<128x64xf32, #tpu.memory_space<vmem>>, vector<1x16xf32>,
        %swap3A_158 = vector.shape_cast %swap3A_157 : vector<1x16xf32> to vector<16xf32>
        %swap3A_159 = vector.shape_cast %broadcast_in_dim3A_1 : vector<16xf32> to vector<1x16xf32>
        tpu.vector_store %arg9[%swap3A, %swap3A_156], %swap3A_159 {strides = array<i32>} : memref<128x64xf32, #tpu.memory_space<vmem>>, vector<1x16xf32>,
        %swap3A_160 = arith.index_cast %scan3A_155 : i32 to index
        %swap3A_161 = arith.constant 16 : index
        %swap3A_162 = tpu.vector_load %arg9[%swap3A_160, %swap3A_161] {strides = array<i32>} : memref<128x64xf32, #tpu.memory_space<vmem>>, vector<1x16xf32>,
        %swap3A_163 = vector.shape_cast %swap3A_162 : vector<1x16xf32> to vector<16xf32>
        %swap3A_164 = vector.shape_cast %broadcast_in_dim3A_1 : vector<16xf32> to vector<1x16xf32>
        tpu.vector_store %arg9[%swap3A_160, %swap3A_161], %swap3A_164 {strides = array<i32>} : memref<128x64xf32, #tpu.memory_space<vmem>>, vector<1x16xf32>,
        %swap3A_165 = arith.index_cast %scan3A_155 : i32 to index
        %swap3A_166 = arith.constant 32 : index
        %swap3A_167 = tpu.vector_load %arg9[%swap3A_165, %swap3A_166] {strides = array<i32>} : memref<128x64xf32, #tpu.memory_space<vmem>>, vector<1x16xf32>,
        %swap3A_168 = vector.shape_cast %swap3A_167 : vector<1x16xf32> to vector<16xf32>
        %swap3A_169 = vector.shape_cast %broadcast_in_dim3A_1 : vector<16xf32> to vector<1x16xf32>
        tpu.vector_store %arg9[%swap3A_165, %swap3A_166], %swap3A_169 {strides = array<i32>} : memref<128x64xf32, #tpu.memory_space<vmem>>, vector<1x16xf32>,
        %swap3A_170 = arith.index_cast %scan3A_155 : i32 to index
        %swap3A_171 = arith.constant 48 : index
        %swap3A_172 = tpu.vector_load %arg9[%swap3A_170, %swap3A_171] {strides = array<i32>} : memref<128x64xf32, #tpu.memory_space<vmem>>, vector<1x16xf32>,
        %swap3A_173 = vector.shape_cast %swap3A_172 : vector<1x16xf32> to vector<16xf32>
        %swap3A_174 = vector.shape_cast %broadcast_in_dim3A_1 : vector<16xf32> to vector<1x16xf32>
        tpu.vector_store %arg9[%swap3A_170, %swap3A_171], %swap3A_174 {strides = array<i32>} : memref<128x64xf32, #tpu.memory_space<vmem>>, vector<1x16xf32>,
      }
      %scan3A_18 = arith.constant 128 : i32
      %dma_start3A = arith.constant 0 : i32
      %dma_start3A_19 = arith.constant 0 : i32
      %dma_start3A_20 = arith.constant 0 : i32
      %dma_start3A_21 = tpu.memref_slice %arg8[%dma_start3A, %dma_start3A_19, %dma_start3A_20] : memref<40x4x128xi32, #tpu.memory_space<vmem>> -> memref<1x1x128xi32, #tpu.memory_space<vmem>>
      %dma_start3A_22 = tpu.memref_squeeze %dma_start3A_21 : memref<1x1x128xi32, #tpu.memory_space<vmem>> -> memref<128xi32, #tpu.memory_space<vmem>>
      %dma_start3A_23 = arith.constant 0 : i32
      %dma_start3A_24 = arith.constant 0 : i32
      %dma_start3A_25 = tpu.memref_slice %arg2[%dma_start3A_23, %dma_start3A_24] : memref<100001x64xf32, #tpu.memory_space<hbm>> -> memref<100001x64xf32, #tpu.memory_space<hbm>>
      tpu.enqueue_indirect_dma source(%dma_start3A_25 : memref<100001x64xf32, #tpu.memory_space<hbm>>) target(%arg9 : memref<128x64xf32, #tpu.memory_space<vmem>>) offsets(%dma_start3A_22 : memref<128xi32, #tpu.memory_space<vmem>>) semaphore(%arg13 : memref<!tpu.dma_semaphore, #tpu.memory_space<semaphore_mem>>) {add = true}
      %dma_start3A_26 = arith.constant 0 : i32
      %dma_start3A_27 = arith.constant 1 : i32
      %dma_start3A_28 = arith.constant 0 : i32
      %dma_start3A_29 = tpu.memref_slice %arg8[%dma_start3A_26, %dma_start3A_27, %dma_start3A_28] : memref<40x4x128xi32, #tpu.memory_space<vmem>> -> memref<1x1x128xi32, #tpu.memory_space<vmem>>
      %dma_start3A_30 = tpu.memref_squeeze %dma_start3A_29 : memref<1x1x128xi32, #tpu.memory_space<vmem>> -> memref<128xi32, #tpu.memory_space<vmem>>
      %dma_start3A_31 = arith.constant 0 : i32
      %dma_start3A_32 = arith.constant 0 : i32
      %dma_start3A_33 = tpu.memref_slice %arg3[%dma_start3A_31, %dma_start3A_32] : memref<100001x64xf32, #tpu.memory_space<hbm>> -> memref<100001x64xf32, #tpu.memory_space<hbm>>
      tpu.enqueue_indirect_dma source(%dma_start3A_33 : memref<100001x64xf32, #tpu.memory_space<hbm>>) target(%arg9 : memref<128x64xf32, #tpu.memory_space<vmem>>) offsets(%dma_start3A_30 : memref<128xi32, #tpu.memory_space<vmem>>) semaphore(%arg13 : memref<!tpu.dma_semaphore, #tpu.memory_space<semaphore_mem>>) {add = true}
      %dma_start3A_34 = arith.constant 0 : i32
      %dma_start3A_35 = arith.constant 2 : i32
      %dma_start3A_36 = arith.constant 0 : i32
      %dma_start3A_37 = tpu.memref_slice %arg8[%dma_start3A_34, %dma_start3A_35, %dma_start3A_36] : memref<40x4x128xi32, #tpu.memory_space<vmem>> -> memref<1x1x128xi32, #tpu.memory_space<vmem>>
      %dma_start3A_38 = tpu.memref_squeeze %dma_start3A_37 : memref<1x1x128xi32, #tpu.memory_space<vmem>> -> memref<128xi32, #tpu.memory_space<vmem>>
      %dma_start3A_39 = arith.constant 0 : i32
      %dma_start3A_40 = arith.constant 0 : i32
      %dma_start3A_41 = tpu.memref_slice %arg4[%dma_start3A_39, %dma_start3A_40] : memref<100001x64xf32, #tpu.memory_space<hbm>> -> memref<100001x64xf32, #tpu.memory_space<hbm>>
      tpu.enqueue_indirect_dma source(%dma_start3A_41 : memref<100001x64xf32, #tpu.memory_space<hbm>>) target(%arg9 : memref<128x64xf32, #tpu.memory_space<vmem>>) offsets(%dma_start3A_38 : memref<128xi32, #tpu.memory_space<vmem>>) semaphore(%arg13 : memref<!tpu.dma_semaphore, #tpu.memory_space<semaphore_mem>>) {add = true}
      %dma_start3A_42 = arith.constant 0 : i32
      %dma_start3A_43 = arith.constant 3 : i32
      %dma_start3A_44 = arith.constant 0 : i32
      %dma_start3A_45 = tpu.memref_slice %arg8[%dma_start3A_42, %dma_start3A_43, %dma_start3A_44] : memref<40x4x128xi32, #tpu.memory_space<vmem>> -> memref<1x1x128xi32, #tpu.memory_space<vmem>>
      %dma_start3A_46 = tpu.memref_squeeze %dma_start3A_45 : memref<1x1x128xi32, #tpu.memory_space<vmem>> -> memref<128xi32, #tpu.memory_space<vmem>>
      %dma_start3A_47 = arith.constant 0 : i32
      %dma_start3A_48 = arith.constant 0 : i32
      %dma_start3A_49 = tpu.memref_slice %arg5[%dma_start3A_47, %dma_start3A_48] : memref<1001x64xf32, #tpu.memory_space<hbm>> -> memref<1001x64xf32, #tpu.memory_space<hbm>>
      tpu.enqueue_indirect_dma source(%dma_start3A_49 : memref<1001x64xf32, #tpu.memory_space<hbm>>) target(%arg9 : memref<128x64xf32, #tpu.memory_space<vmem>>) offsets(%dma_start3A_46 : memref<128xi32, #tpu.memory_space<vmem>>) semaphore(%arg13 : memref<!tpu.dma_semaphore, #tpu.memory_space<semaphore_mem>>) {add = true}
      %scan3A_50 = arith.constant 0 : i32
      %scan3A_51 = arith.constant 0 : i32
      %scan3A_52 = arith.constant 128 : i32
      %scan3A_53 = arith.addi %scan3A_51, %scan3A_52 : i32
      %scan3A_54 = arith.constant 1 : i32
      scf.for %scan3A_155 = %scan3A_51 to %scan3A_53 step %scan3A_54  : i32 {
        %swap3A = arith.index_cast %scan3A_155 : i32 to index
        %swap3A_156 = arith.constant 0 : index
        %swap3A_157 = tpu.vector_load %arg10[%swap3A, %swap3A_156] {strides = array<i32>} : memref<128x64xf32, #tpu.memory_space<vmem>>, vector<1x16xf32>,
        %swap3A_158 = vector.shape_cast %swap3A_157 : vector<1x16xf32> to vector<16xf32>
        %swap3A_159 = vector.shape_cast %broadcast_in_dim3A_1 : vector<16xf32> to vector<1x16xf32>
        tpu.vector_store %arg10[%swap3A, %swap3A_156], %swap3A_159 {strides = array<i32>} : memref<128x64xf32, #tpu.memory_space<vmem>>, vector<1x16xf32>,
        %swap3A_160 = arith.index_cast %scan3A_155 : i32 to index
        %swap3A_161 = arith.constant 16 : index
        %swap3A_162 = tpu.vector_load %arg10[%swap3A_160, %swap3A_161] {strides = array<i32>} : memref<128x64xf32, #tpu.memory_space<vmem>>, vector<1x16xf32>,
        %swap3A_163 = vector.shape_cast %swap3A_162 : vector<1x16xf32> to vector<16xf32>
        %swap3A_164 = vector.shape_cast %broadcast_in_dim3A_1 : vector<16xf32> to vector<1x16xf32>
        tpu.vector_store %arg10[%swap3A_160, %swap3A_161], %swap3A_164 {strides = array<i32>} : memref<128x64xf32, #tpu.memory_space<vmem>>, vector<1x16xf32>,
        %swap3A_165 = arith.index_cast %scan3A_155 : i32 to index
        %swap3A_166 = arith.constant 32 : index
        %swap3A_167 = tpu.vector_load %arg10[%swap3A_165, %swap3A_166] {strides = array<i32>} : memref<128x64xf32, #tpu.memory_space<vmem>>, vector<1x16xf32>,
        %swap3A_168 = vector.shape_cast %swap3A_167 : vector<1x16xf32> to vector<16xf32>
        %swap3A_169 = vector.shape_cast %broadcast_in_dim3A_1 : vector<16xf32> to vector<1x16xf32>
        tpu.vector_store %arg10[%swap3A_165, %swap3A_166], %swap3A_169 {strides = array<i32>} : memref<128x64xf32, #tpu.memory_space<vmem>>, vector<1x16xf32>,
        %swap3A_170 = arith.index_cast %scan3A_155 : i32 to index
        %swap3A_171 = arith.constant 48 : index
        %swap3A_172 = tpu.vector_load %arg10[%swap3A_170, %swap3A_171] {strides = array<i32>} : memref<128x64xf32, #tpu.memory_space<vmem>>, vector<1x16xf32>,
        %swap3A_173 = vector.shape_cast %swap3A_172 : vector<1x16xf32> to vector<16xf32>
        %swap3A_174 = vector.shape_cast %broadcast_in_dim3A_1 : vector<16xf32> to vector<1x16xf32>
        tpu.vector_store %arg10[%swap3A_170, %swap3A_171], %swap3A_174 {strides = array<i32>} : memref<128x64xf32, #tpu.memory_space<vmem>>, vector<1x16xf32>,
      }
      %scan3A_55 = arith.constant 128 : i32
      %dma_start3A_56 = arith.constant 1 : i32
      %dma_start3A_57 = arith.constant 0 : i32
      %dma_start3A_58 = arith.constant 0 : i32
      %dma_start3A_59 = tpu.memref_slice %arg8[%dma_start3A_56, %dma_start3A_57, %dma_start3A_58] : memref<40x4x128xi32, #tpu.memory_space<vmem>> -> memref<1x1x128xi32, #tpu.memory_space<vmem>>
      %dma_start3A_60 = tpu.memref_squeeze %dma_start3A_59 : memref<1x1x128xi32, #tpu.memory_space<vmem>> -> memref<128xi32, #tpu.memory_space<vmem>>
      %dma_start3A_61 = arith.constant 0 : i32
      %dma_start3A_62 = arith.constant 0 : i32
      %dma_start3A_63 = tpu.memref_slice %arg2[%dma_start3A_61, %dma_start3A_62] : memref<100001x64xf32, #tpu.memory_space<hbm>> -> memref<100001x64xf32, #tpu.memory_space<hbm>>
      tpu.enqueue_indirect_dma source(%dma_start3A_63 : memref<100001x64xf32, #tpu.memory_space<hbm>>) target(%arg10 : memref<128x64xf32, #tpu.memory_space<vmem>>) offsets(%dma_start3A_60 : memref<128xi32, #tpu.memory_space<vmem>>) semaphore(%arg14 : memref<!tpu.dma_semaphore, #tpu.memory_space<semaphore_mem>>) {add = true}
      %dma_start3A_64 = arith.constant 1 : i32
      %dma_start3A_65 = arith.constant 1 : i32
      %dma_start3A_66 = arith.constant 0 : i32
      %dma_start3A_67 = tpu.memref_slice %arg8[%dma_start3A_64, %dma_start3A_65, %dma_start3A_66] : memref<40x4x128xi32, #tpu.memory_space<vmem>> -> memref<1x1x128xi32, #tpu.memory_space<vmem>>
      %dma_start3A_68 = tpu.memref_squeeze %dma_start3A_67 : memref<1x1x128xi32, #tpu.memory_space<vmem>> -> memref<128xi32, #tpu.memory_space<vmem>>
      %dma_start3A_69 = arith.constant 0 : i32
      %dma_start3A_70 = arith.constant 0 : i32
      %dma_start3A_71 = tpu.memref_slice %arg3[%dma_start3A_69, %dma_start3A_70] : memref<100001x64xf32, #tpu.memory_space<hbm>> -> memref<100001x64xf32, #tpu.memory_space<hbm>>
      tpu.enqueue_indirect_dma source(%dma_start3A_71 : memref<100001x64xf32, #tpu.memory_space<hbm>>) target(%arg10 : memref<128x64xf32, #tpu.memory_space<vmem>>) offsets(%dma_start3A_68 : memref<128xi32, #tpu.memory_space<vmem>>) semaphore(%arg14 : memref<!tpu.dma_semaphore, #tpu.memory_space<semaphore_mem>>) {add = true}
      %dma_start3A_72 = arith.constant 1 : i32
      %dma_start3A_73 = arith.constant 2 : i32
      %dma_start3A_74 = arith.constant 0 : i32
      %dma_start3A_75 = tpu.memref_slice %arg8[%dma_start3A_72, %dma_start3A_73, %dma_start3A_74] : memref<40x4x128xi32, #tpu.memory_space<vmem>> -> memref<1x1x128xi32, #tpu.memory_space<vmem>>
      %dma_start3A_76 = tpu.memref_squeeze %dma_start3A_75 : memref<1x1x128xi32, #tpu.memory_space<vmem>> -> memref<128xi32, #tpu.memory_space<vmem>>
      %dma_start3A_77 = arith.constant 0 : i32
      %dma_start3A_78 = arith.constant 0 : i32
      %dma_start3A_79 = tpu.memref_slice %arg4[%dma_start3A_77, %dma_start3A_78] : memref<100001x64xf32, #tpu.memory_space<hbm>> -> memref<100001x64xf32, #tpu.memory_space<hbm>>
      tpu.enqueue_indirect_dma source(%dma_start3A_79 : memref<100001x64xf32, #tpu.memory_space<hbm>>) target(%arg10 : memref<128x64xf32, #tpu.memory_space<vmem>>) offsets(%dma_start3A_76 : memref<128xi32, #tpu.memory_space<vmem>>) semaphore(%arg14 : memref<!tpu.dma_semaphore, #tpu.memory_space<semaphore_mem>>) {add = true}
      %dma_start3A_80 = arith.constant 1 : i32
      %dma_start3A_81 = arith.constant 3 : i32
      %dma_start3A_82 = arith.constant 0 : i32
      %dma_start3A_83 = tpu.memref_slice %arg8[%dma_start3A_80, %dma_start3A_81, %dma_start3A_82] : memref<40x4x128xi32, #tpu.memory_space<vmem>> -> memref<1x1x128xi32, #tpu.memory_space<vmem>>
      %dma_start3A_84 = tpu.memref_squeeze %dma_start3A_83 : memref<1x1x128xi32, #tpu.memory_space<vmem>> -> memref<128xi32, #tpu.memory_space<vmem>>
      %dma_start3A_85 = arith.constant 0 : i32
      %dma_start3A_86 = arith.constant 0 : i32
      %dma_start3A_87 = tpu.memref_slice %arg5[%dma_start3A_85, %dma_start3A_86] : memref<1001x64xf32, #tpu.memory_space<hbm>> -> memref<1001x64xf32, #tpu.memory_space<hbm>>
      tpu.enqueue_indirect_dma source(%dma_start3A_87 : memref<1001x64xf32, #tpu.memory_space<hbm>>) target(%arg10 : memref<128x64xf32, #tpu.memory_space<vmem>>) offsets(%dma_start3A_84 : memref<128xi32, #tpu.memory_space<vmem>>) semaphore(%arg14 : memref<!tpu.dma_semaphore, #tpu.memory_space<semaphore_mem>>) {add = true}
      %scan3A_88 = arith.constant 0 : i32
      %scan3A_89 = arith.constant 0 : i32
      %scan3A_90 = arith.constant 128 : i32
      %scan3A_91 = arith.addi %scan3A_89, %scan3A_90 : i32
      %scan3A_92 = arith.constant 1 : i32
      scf.for %scan3A_155 = %scan3A_89 to %scan3A_91 step %scan3A_92  : i32 {
        %swap3A = arith.index_cast %scan3A_155 : i32 to index
        %swap3A_156 = arith.constant 0 : index
        %swap3A_157 = tpu.vector_load %arg11[%swap3A, %swap3A_156] {strides = array<i32>} : memref<128x64xf32, #tpu.memory_space<vmem>>, vector<1x16xf32>,
        %swap3A_158 = vector.shape_cast %swap3A_157 : vector<1x16xf32> to vector<16xf32>
        %swap3A_159 = vector.shape_cast %broadcast_in_dim3A_1 : vector<16xf32> to vector<1x16xf32>
        tpu.vector_store %arg11[%swap3A, %swap3A_156], %swap3A_159 {strides = array<i32>} : memref<128x64xf32, #tpu.memory_space<vmem>>, vector<1x16xf32>,
        %swap3A_160 = arith.index_cast %scan3A_155 : i32 to index
        %swap3A_161 = arith.constant 16 : index
        %swap3A_162 = tpu.vector_load %arg11[%swap3A_160, %swap3A_161] {strides = array<i32>} : memref<128x64xf32, #tpu.memory_space<vmem>>, vector<1x16xf32>,
        %swap3A_163 = vector.shape_cast %swap3A_162 : vector<1x16xf32> to vector<16xf32>
        %swap3A_164 = vector.shape_cast %broadcast_in_dim3A_1 : vector<16xf32> to vector<1x16xf32>
        tpu.vector_store %arg11[%swap3A_160, %swap3A_161], %swap3A_164 {strides = array<i32>} : memref<128x64xf32, #tpu.memory_space<vmem>>, vector<1x16xf32>,
        %swap3A_165 = arith.index_cast %scan3A_155 : i32 to index
        %swap3A_166 = arith.constant 32 : index
        %swap3A_167 = tpu.vector_load %arg11[%swap3A_165, %swap3A_166] {strides = array<i32>} : memref<128x64xf32, #tpu.memory_space<vmem>>, vector<1x16xf32>,
        %swap3A_168 = vector.shape_cast %swap3A_167 : vector<1x16xf32> to vector<16xf32>
        %swap3A_169 = vector.shape_cast %broadcast_in_dim3A_1 : vector<16xf32> to vector<1x16xf32>
        tpu.vector_store %arg11[%swap3A_165, %swap3A_166], %swap3A_169 {strides = array<i32>} : memref<128x64xf32, #tpu.memory_space<vmem>>, vector<1x16xf32>,
        %swap3A_170 = arith.index_cast %scan3A_155 : i32 to index
        %swap3A_171 = arith.constant 48 : index
        %swap3A_172 = tpu.vector_load %arg11[%swap3A_170, %swap3A_171] {strides = array<i32>} : memref<128x64xf32, #tpu.memory_space<vmem>>, vector<1x16xf32>,
        %swap3A_173 = vector.shape_cast %swap3A_172 : vector<1x16xf32> to vector<16xf32>
        %swap3A_174 = vector.shape_cast %broadcast_in_dim3A_1 : vector<16xf32> to vector<1x16xf32>
        tpu.vector_store %arg11[%swap3A_170, %swap3A_171], %swap3A_174 {strides = array<i32>} : memref<128x64xf32, #tpu.memory_space<vmem>>, vector<1x16xf32>,
      }
      %scan3A_93 = arith.constant 128 : i32
      %dma_start3A_94 = arith.constant 2 : i32
      %dma_start3A_95 = arith.constant 0 : i32
      %dma_start3A_96 = arith.constant 0 : i32
      %dma_start3A_97 = tpu.memref_slice %arg8[%dma_start3A_94, %dma_start3A_95, %dma_start3A_96] : memref<40x4x128xi32, #tpu.memory_space<vmem>> -> memref<1x1x128xi32, #tpu.memory_space<vmem>>
      %dma_start3A_98 = tpu.memref_squeeze %dma_start3A_97 : memref<1x1x128xi32, #tpu.memory_space<vmem>> -> memref<128xi32, #tpu.memory_space<vmem>>
      %dma_start3A_99 = arith.constant 0 : i32
      %dma_start3A_100 = arith.constant 0 : i32
      %dma_start3A_101 = tpu.memref_slice %arg2[%dma_start3A_99, %dma_start3A_100] : memref<100001x64xf32, #tpu.memory_space<hbm>> -> memref<100001x64xf32, #tpu.memory_space<hbm>>
      tpu.enqueue_indirect_dma source(%dma_start3A_101 : memref<100001x64xf32, #tpu.memory_space<hbm>>) target(%arg11 : memref<128x64xf32, #tpu.memory_space<vmem>>) offsets(%dma_start3A_98 : memref<128xi32, #tpu.memory_space<vmem>>) semaphore(%arg15 : memref<!tpu.dma_semaphore, #tpu.memory_space<semaphore_mem>>) {add = true}
      %dma_start3A_102 = arith.constant 2 : i32
      %dma_start3A_103 = arith.constant 1 : i32
      %dma_start3A_104 = arith.constant 0 : i32
      %dma_start3A_105 = tpu.memref_slice %arg8[%dma_start3A_102, %dma_start3A_103, %dma_start3A_104] : memref<40x4x128xi32, #tpu.memory_space<vmem>> -> memref<1x1x128xi32, #tpu.memory_space<vmem>>
      %dma_start3A_106 = tpu.memref_squeeze %dma_start3A_105 : memref<1x1x128xi32, #tpu.memory_space<vmem>> -> memref<128xi32, #tpu.memory_space<vmem>>
      %dma_start3A_107 = arith.constant 0 : i32
      %dma_start3A_108 = arith.constant 0 : i32
      %dma_start3A_109 = tpu.memref_slice %arg3[%dma_start3A_107, %dma_start3A_108] : memref<100001x64xf32, #tpu.memory_space<hbm>> -> memref<100001x64xf32, #tpu.memory_space<hbm>>
      tpu.enqueue_indirect_dma source(%dma_start3A_109 : memref<100001x64xf32, #tpu.memory_space<hbm>>) target(%arg11 : memref<128x64xf32, #tpu.memory_space<vmem>>) offsets(%dma_start3A_106 : memref<128xi32, #tpu.memory_space<vmem>>) semaphore(%arg15 : memref<!tpu.dma_semaphore, #tpu.memory_space<semaphore_mem>>) {add = true}
      %dma_start3A_110 = arith.constant 2 : i32
      %dma_start3A_111 = arith.constant 2 : i32
      %dma_start3A_112 = arith.constant 0 : i32
      %dma_start3A_113 = tpu.memref_slice %arg8[%dma_start3A_110, %dma_start3A_111, %dma_start3A_112] : memref<40x4x128xi32, #tpu.memory_space<vmem>> -> memref<1x1x128xi32, #tpu.memory_space<vmem>>
      %dma_start3A_114 = tpu.memref_squeeze %dma_start3A_113 : memref<1x1x128xi32, #tpu.memory_space<vmem>> -> memref<128xi32, #tpu.memory_space<vmem>>
      %dma_start3A_115 = arith.constant 0 : i32
      %dma_start3A_116 = arith.constant 0 : i32
      %dma_start3A_117 = tpu.memref_slice %arg4[%dma_start3A_115, %dma_start3A_116] : memref<100001x64xf32, #tpu.memory_space<hbm>> -> memref<100001x64xf32, #tpu.memory_space<hbm>>
      tpu.enqueue_indirect_dma source(%dma_start3A_117 : memref<100001x64xf32, #tpu.memory_space<hbm>>) target(%arg11 : memref<128x64xf32, #tpu.memory_space<vmem>>) offsets(%dma_start3A_114 : memref<128xi32, #tpu.memory_space<vmem>>) semaphore(%arg15 : memref<!tpu.dma_semaphore, #tpu.memory_space<semaphore_mem>>) {add = true}
      %dma_start3A_118 = arith.constant 2 : i32
      %dma_start3A_119 = arith.constant 3 : i32
      %dma_start3A_120 = arith.constant 0 : i32
      %dma_start3A_121 = tpu.memref_slice %arg8[%dma_start3A_118, %dma_start3A_119, %dma_start3A_120] : memref<40x4x128xi32, #tpu.memory_space<vmem>> -> memref<1x1x128xi32, #tpu.memory_space<vmem>>
      %dma_start3A_122 = tpu.memref_squeeze %dma_start3A_121 : memref<1x1x128xi32, #tpu.memory_space<vmem>> -> memref<128xi32, #tpu.memory_space<vmem>>
      %dma_start3A_123 = arith.constant 0 : i32
      %dma_start3A_124 = arith.constant 0 : i32
      %dma_start3A_125 = tpu.memref_slice %arg5[%dma_start3A_123, %dma_start3A_124] : memref<1001x64xf32, #tpu.memory_space<hbm>> -> memref<1001x64xf32, #tpu.memory_space<hbm>>
      tpu.enqueue_indirect_dma source(%dma_start3A_125 : memref<1001x64xf32, #tpu.memory_space<hbm>>) target(%arg11 : memref<128x64xf32, #tpu.memory_space<vmem>>) offsets(%dma_start3A_122 : memref<128xi32, #tpu.memory_space<vmem>>) semaphore(%arg15 : memref<!tpu.dma_semaphore, #tpu.memory_space<semaphore_mem>>) {add = true}
      %scan3A_126 = arith.constant 0 : i32
      %scan3A_127 = arith.constant 0 : i32
      %scan3A_128 = arith.constant 10 : i32
      %scan3A_129 = arith.addi %scan3A_127, %scan3A_128 : i32
      %scan3A_130 = arith.constant 1 : i32
      scf.for %scan3A_155 = %scan3A_127 to %scan3A_129 step %scan3A_130  : i32 {
        %mul3A_156 = arith.constant 4 : i32
        %mul3A_157 = arith.muli %mul3A_156, %scan3A_155 : i32
        %add3A_158 = arith.constant 0 : i32
        %add3A_159 = arith.addi %mul3A_157, %add3A_158 : i32
        %dma_wait3A_160 = arith.constant 0 : i32
        %dma_wait3A_161 = arith.constant 0 : i32
        %dma_wait3A_162 = tpu.memref_slice %arg2[%dma_wait3A_160, %dma_wait3A_161] : memref<100001x64xf32, #tpu.memory_space<hbm>> -> memref<128x64xf32, #tpu.memory_space<hbm>>
        %dma_wait3A_163 = arith.constant 0 : i32
        %dma_wait3A_164 = arith.constant 0 : i32
        %dma_wait3A_165 = tpu.memref_slice %arg2[%dma_wait3A_163, %dma_wait3A_164] : memref<100001x64xf32, #tpu.memory_space<hbm>> -> memref<128x64xf32, #tpu.memory_space<hbm>>
        tpu.wait_dma2 semaphore(%arg13 : memref<!tpu.dma_semaphore, #tpu.memory_space<semaphore_mem>>) src(%dma_wait3A_165 : memref<128x64xf32, #tpu.memory_space<hbm>>) dst(%arg9 : memref<128x64xf32, #tpu.memory_space<vmem>>)
        %dma_wait3A_166 = arith.constant 0 : i32
        %dma_wait3A_167 = arith.constant 0 : i32
        %dma_wait3A_168 = tpu.memref_slice %arg2[%dma_wait3A_166, %dma_wait3A_167] : memref<100001x64xf32, #tpu.memory_space<hbm>> -> memref<128x64xf32, #tpu.memory_space<hbm>>
        %dma_wait3A_169 = arith.constant 0 : i32
        %dma_wait3A_170 = arith.constant 0 : i32
        %dma_wait3A_171 = tpu.memref_slice %arg2[%dma_wait3A_169, %dma_wait3A_170] : memref<100001x64xf32, #tpu.memory_space<hbm>> -> memref<128x64xf32, #tpu.memory_space<hbm>>
        tpu.wait_dma2 semaphore(%arg13 : memref<!tpu.dma_semaphore, #tpu.memory_space<semaphore_mem>>) src(%dma_wait3A_171 : memref<128x64xf32, #tpu.memory_space<hbm>>) dst(%arg9 : memref<128x64xf32, #tpu.memory_space<vmem>>)
        %dma_wait3A_172 = arith.constant 0 : i32
        %dma_wait3A_173 = arith.constant 0 : i32
        %dma_wait3A_174 = tpu.memref_slice %arg2[%dma_wait3A_172, %dma_wait3A_173] : memref<100001x64xf32, #tpu.memory_space<hbm>> -> memref<128x64xf32, #tpu.memory_space<hbm>>
        %dma_wait3A_175 = arith.constant 0 : i32
        %dma_wait3A_176 = arith.constant 0 : i32
        %dma_wait3A_177 = tpu.memref_slice %arg2[%dma_wait3A_175, %dma_wait3A_176] : memref<100001x64xf32, #tpu.memory_space<hbm>> -> memref<128x64xf32, #tpu.memory_space<hbm>>
        tpu.wait_dma2 semaphore(%arg13 : memref<!tpu.dma_semaphore, #tpu.memory_space<semaphore_mem>>) src(%dma_wait3A_177 : memref<128x64xf32, #tpu.memory_space<hbm>>) dst(%arg9 : memref<128x64xf32, #tpu.memory_space<vmem>>)
        %dma_wait3A_178 = arith.constant 0 : i32
        %dma_wait3A_179 = arith.constant 0 : i32
        %dma_wait3A_180 = tpu.memref_slice %arg2[%dma_wait3A_178, %dma_wait3A_179] : memref<100001x64xf32, #tpu.memory_space<hbm>> -> memref<128x64xf32, #tpu.memory_space<hbm>>
        %dma_wait3A_181 = arith.constant 0 : i32
        %dma_wait3A_182 = arith.constant 0 : i32
        %dma_wait3A_183 = tpu.memref_slice %arg2[%dma_wait3A_181, %dma_wait3A_182] : memref<100001x64xf32, #tpu.memory_space<hbm>> -> memref<128x64xf32, #tpu.memory_space<hbm>>
        tpu.wait_dma2 semaphore(%arg13 : memref<!tpu.dma_semaphore, #tpu.memory_space<semaphore_mem>>) src(%dma_wait3A_183 : memref<128x64xf32, #tpu.memory_space<hbm>>) dst(%arg9 : memref<128x64xf32, #tpu.memory_space<vmem>>)
        %add3A_184 = arith.addi %add3A_12, %add3A_159 : i32
        %mul3A_185 = arith.constant 128 : i32
        %mul3A_186 = arith.muli %add3A_184, %mul3A_185 : i32
        %dma_start3A_187 = arith.constant 0 : i32
        %dma_start3A_188 = tpu.memref_slice %arg7[%mul3A_186, %dma_start3A_187] : memref<819200x64xf32, #tpu.memory_space<hbm>> -> memref<128x64xf32, #tpu.memory_space<hbm>>
        %dma_start3A_189 = arith.constant 0 : i32
        %dma_start3A_190 = tpu.memref_slice %arg7[%mul3A_186, %dma_start3A_189] : memref<819200x64xf32, #tpu.memory_space<hbm>> -> memref<128x64xf32, #tpu.memory_space<hbm>>
        tpu.enqueue_dma source(%arg9 : memref<128x64xf32, #tpu.memory_space<vmem>>) target(%dma_start3A_190 : memref<128x64xf32, #tpu.memory_space<hbm>>) target_semaphore(%arg17 : memref<!tpu.dma_semaphore, #tpu.memory_space<semaphore_mem>>)
        %add3A_191 = arith.constant 4 : i32
        %add3A_192 = arith.addi %add3A_159, %add3A_191 : i32
        %sub3A = arith.constant 1 : i32
        %sub3A_193 = arith.subi %add3A_192, %sub3A : i32
        %lt3A = arith.constant 40 : i32
        %lt3A_194 = arith.cmpi slt, %sub3A_193, %lt3A : i32
        %convert_element_type3A = arith.extui %lt3A_194 : i1 to i32
        %cond3A = arith.constant 0 : i32
        %cond3A_195 = arith.cmpi ne, %convert_element_type3A, %cond3A : i32
        scf.if %cond3A_195 {
          %ge3A = arith.constant 1 : i32
          %ge3A_328 = arith.cmpi sge, %add3A_159, %ge3A : i32
          %convert_element_type3A_329 = arith.extui %ge3A_328 : i1 to i32
          %cond3A_330 = arith.constant 0 : i32
          %cond3A_331 = arith.cmpi ne, %convert_element_type3A_329, %cond3A_330 : i32
          scf.if %cond3A_331 {
            %dma_wait3A_366 = arith.constant 0 : i32
            %dma_wait3A_367 = arith.constant 0 : i32
            %dma_wait3A_368 = tpu.memref_slice %arg7[%dma_wait3A_366, %dma_wait3A_367] : memref<819200x64xf32, #tpu.memory_space<hbm>> -> memref<128x64xf32, #tpu.memory_space<hbm>>
            %dma_wait3A_369 = arith.constant 0 : i32
            %dma_wait3A_370 = arith.constant 0 : i32
            %dma_wait3A_371 = tpu.memref_slice %arg7[%dma_wait3A_369, %dma_wait3A_370] : memref<819200x64xf32, #tpu.memory_space<hbm>> -> memref<128x64xf32, #tpu.memory_space<hbm>>
            tpu.wait_dma2 semaphore(%arg20 : memref<!tpu.dma_semaphore, #tpu.memory_space<semaphore_mem>>) src(%arg12 : memref<128x64xf32, #tpu.memory_space<vmem>>) dst(%dma_wait3A_371 : memref<128x64xf32, #tpu.memory_space<hbm>>)
          } else {
          }
          %scan3A_332 = arith.constant 0 : i32
          %scan3A_333 = arith.constant 0 : i32
          %scan3A_334 = arith.constant 128 : i32
          %scan3A_335 = arith.addi %scan3A_333, %scan3A_334 : i32
          %scan3A_336 = arith.constant 1 : i32
          scf.for %scan3A_366 = %scan3A_333 to %scan3A_335 step %scan3A_336  : i32 {
            %swap3A = arith.index_cast %scan3A_366 : i32 to index
            %swap3A_367 = arith.constant 0 : index
            %swap3A_368 = tpu.vector_load %arg12[%swap3A, %swap3A_367] {strides = array<i32>} : memref<128x64xf32, #tpu.memory_space<vmem>>, vector<1x16xf32>,
            %swap3A_369 = vector.shape_cast %swap3A_368 : vector<1x16xf32> to vector<16xf32>
            %swap3A_370 = vector.shape_cast %broadcast_in_dim3A_1 : vector<16xf32> to vector<1x16xf32>
            tpu.vector_store %arg12[%swap3A, %swap3A_367], %swap3A_370 {strides = array<i32>} : memref<128x64xf32, #tpu.memory_space<vmem>>, vector<1x16xf32>,
            %swap3A_371 = arith.index_cast %scan3A_366 : i32 to index
            %swap3A_372 = arith.constant 16 : index
            %swap3A_373 = tpu.vector_load %arg12[%swap3A_371, %swap3A_372] {strides = array<i32>} : memref<128x64xf32, #tpu.memory_space<vmem>>, vector<1x16xf32>,
            %swap3A_374 = vector.shape_cast %swap3A_373 : vector<1x16xf32> to vector<16xf32>
            %swap3A_375 = vector.shape_cast %broadcast_in_dim3A_1 : vector<16xf32> to vector<1x16xf32>
            tpu.vector_store %arg12[%swap3A_371, %swap3A_372], %swap3A_375 {strides = array<i32>} : memref<128x64xf32, #tpu.memory_space<vmem>>, vector<1x16xf32>,
            %swap3A_376 = arith.index_cast %scan3A_366 : i32 to index
            %swap3A_377 = arith.constant 32 : index
            %swap3A_378 = tpu.vector_load %arg12[%swap3A_376, %swap3A_377] {strides = array<i32>} : memref<128x64xf32, #tpu.memory_space<vmem>>, vector<1x16xf32>,
            %swap3A_379 = vector.shape_cast %swap3A_378 : vector<1x16xf32> to vector<16xf32>
            %swap3A_380 = vector.shape_cast %broadcast_in_dim3A_1 : vector<16xf32> to vector<1x16xf32>
            tpu.vector_store %arg12[%swap3A_376, %swap3A_377], %swap3A_380 {strides = array<i32>} : memref<128x64xf32, #tpu.memory_space<vmem>>, vector<1x16xf32>,
            %swap3A_381 = arith.index_cast %scan3A_366 : i32 to index
            %swap3A_382 = arith.constant 48 : index
            %swap3A_383 = tpu.vector_load %arg12[%swap3A_381, %swap3A_382] {strides = array<i32>} : memref<128x64xf32, #tpu.memory_space<vmem>>, vector<1x16xf32>,
            %swap3A_384 = vector.shape_cast %swap3A_383 : vector<1x16xf32> to vector<16xf32>
            %swap3A_385 = vector.shape_cast %broadcast_in_dim3A_1 : vector<16xf32> to vector<1x16xf32>
            tpu.vector_store %arg12[%swap3A_381, %swap3A_382], %swap3A_385 {strides = array<i32>} : memref<128x64xf32, #tpu.memory_space<vmem>>, vector<1x16xf32>,
          }
          %scan3A_337 = arith.constant 128 : i32
          %dma_start3A_338 = arith.constant 0 : i32
          %dma_start3A_339 = arith.constant 0 : i32
          %dma_start3A_340 = tpu.memref_slice %arg8[%sub3A_193, %dma_start3A_338, %dma_start3A_339] : memref<40x4x128xi32, #tpu.memory_space<vmem>> -> memref<1x1x128xi32, #tpu.memory_space<vmem>>
          %dma_start3A_341 = tpu.memref_squeeze %dma_start3A_340 : memref<1x1x128xi32, #tpu.memory_space<vmem>> -> memref<128xi32, #tpu.memory_space<vmem>>
          %dma_start3A_342 = arith.constant 0 : i32
          %dma_start3A_343 = arith.constant 0 : i32
          %dma_start3A_344 = tpu.memref_slice %arg2[%dma_start3A_342, %dma_start3A_343] : memref<100001x64xf32, #tpu.memory_space<hbm>> -> memref<100001x64xf32, #tpu.memory_space<hbm>>
          tpu.enqueue_indirect_dma source(%dma_start3A_344 : memref<100001x64xf32, #tpu.memory_space<hbm>>) target(%arg12 : memref<128x64xf32, #tpu.memory_space<vmem>>) offsets(%dma_start3A_341 : memref<128xi32, #tpu.memory_space<vmem>>) semaphore(%arg16 : memref<!tpu.dma_semaphore, #tpu.memory_space<semaphore_mem>>) {add = true}
          %dma_start3A_345 = arith.constant 1 : i32
          %dma_start3A_346 = arith.constant 0 : i32
          %dma_start3A_347 = tpu.memref_slice %arg8[%sub3A_193, %dma_start3A_345, %dma_start3A_346] : memref<40x4x128xi32, #tpu.memory_space<vmem>> -> memref<1x1x128xi32, #tpu.memory_space<vmem>>
          %dma_start3A_348 = tpu.memref_squeeze %dma_start3A_347 : memref<1x1x128xi32, #tpu.memory_space<vmem>> -> memref<128xi32, #tpu.memory_space<vmem>>
          %dma_start3A_349 = arith.constant 0 : i32
          %dma_start3A_350 = arith.constant 0 : i32
          %dma_start3A_351 = tpu.memref_slice %arg3[%dma_start3A_349, %dma_start3A_350] : memref<100001x64xf32, #tpu.memory_space<hbm>> -> memref<100001x64xf32, #tpu.memory_space<hbm>>
          tpu.enqueue_indirect_dma source(%dma_start3A_351 : memref<100001x64xf32, #tpu.memory_space<hbm>>) target(%arg12 : memref<128x64xf32, #tpu.memory_space<vmem>>) offsets(%dma_start3A_348 : memref<128xi32, #tpu.memory_space<vmem>>) semaphore(%arg16 : memref<!tpu.dma_semaphore, #tpu.memory_space<semaphore_mem>>) {add = true}
          %dma_start3A_352 = arith.constant 2 : i32
          %dma_start3A_353 = arith.constant 0 : i32
          %dma_start3A_354 = tpu.memref_slice %arg8[%sub3A_193, %dma_start3A_352, %dma_start3A_353] : memref<40x4x128xi32, #tpu.memory_space<vmem>> -> memref<1x1x128xi32, #tpu.memory_space<vmem>>
          %dma_start3A_355 = tpu.memref_squeeze %dma_start3A_354 : memref<1x1x128xi32, #tpu.memory_space<vmem>> -> memref<128xi32, #tpu.memory_space<vmem>>
          %dma_start3A_356 = arith.constant 0 : i32
          %dma_start3A_357 = arith.constant 0 : i32
          %dma_start3A_358 = tpu.memref_slice %arg4[%dma_start3A_356, %dma_start3A_357] : memref<100001x64xf32, #tpu.memory_space<hbm>> -> memref<100001x64xf32, #tpu.memory_space<hbm>>
          tpu.enqueue_indirect_dma source(%dma_start3A_358 : memref<100001x64xf32, #tpu.memory_space<hbm>>) target(%arg12 : memref<128x64xf32, #tpu.memory_space<vmem>>) offsets(%dma_start3A_355 : memref<128xi32, #tpu.memory_space<vmem>>) semaphore(%arg16 : memref<!tpu.dma_semaphore, #tpu.memory_space<semaphore_mem>>) {add = true}
          %dma_start3A_359 = arith.constant 3 : i32
          %dma_start3A_360 = arith.constant 0 : i32
          %dma_start3A_361 = tpu.memref_slice %arg8[%sub3A_193, %dma_start3A_359, %dma_start3A_360] : memref<40x4x128xi32, #tpu.memory_space<vmem>> -> memref<1x1x128xi32, #tpu.memory_space<vmem>>
          %dma_start3A_362 = tpu.memref_squeeze %dma_start3A_361 : memref<1x1x128xi32, #tpu.memory_space<vmem>> -> memref<128xi32, #tpu.memory_space<vmem>>
          %dma_start3A_363 = arith.constant 0 : i32
          %dma_start3A_364 = arith.constant 0 : i32
          %dma_start3A_365 = tpu.memref_slice %arg5[%dma_start3A_363, %dma_start3A_364] : memref<1001x64xf32, #tpu.memory_space<hbm>> -> memref<1001x64xf32, #tpu.memory_space<hbm>>
          tpu.enqueue_indirect_dma source(%dma_start3A_365 : memref<1001x64xf32, #tpu.memory_space<hbm>>) target(%arg12 : memref<128x64xf32, #tpu.memory_space<vmem>>) offsets(%dma_start3A_362 : memref<128xi32, #tpu.memory_space<vmem>>) semaphore(%arg16 : memref<!tpu.dma_semaphore, #tpu.memory_space<semaphore_mem>>) {add = true}
        } else {
        }
        %mul3A_196 = arith.constant 4 : i32
        %mul3A_197 = arith.muli %mul3A_196, %scan3A_155 : i32
        %add3A_198 = arith.constant 1 : i32
        %add3A_199 = arith.addi %mul3A_197, %add3A_198 : i32
        %dma_wait3A_200 = arith.constant 0 : i32
        %dma_wait3A_201 = arith.constant 0 : i32
        %dma_wait3A_202 = tpu.memref_slice %arg2[%dma_wait3A_200, %dma_wait3A_201] : memref<100001x64xf32, #tpu.memory_space<hbm>> -> memref<128x64xf32, #tpu.memory_space<hbm>>
        %dma_wait3A_203 = arith.constant 0 : i32
        %dma_wait3A_204 = arith.constant 0 : i32
        %dma_wait3A_205 = tpu.memref_slice %arg2[%dma_wait3A_203, %dma_wait3A_204] : memref<100001x64xf32, #tpu.memory_space<hbm>> -> memref<128x64xf32, #tpu.memory_space<hbm>>
        tpu.wait_dma2 semaphore(%arg14 : memref<!tpu.dma_semaphore, #tpu.memory_space<semaphore_mem>>) src(%dma_wait3A_205 : memref<128x64xf32, #tpu.memory_space<hbm>>) dst(%arg10 : memref<128x64xf32, #tpu.memory_space<vmem>>)
        %dma_wait3A_206 = arith.constant 0 : i32
        %dma_wait3A_207 = arith.constant 0 : i32
        %dma_wait3A_208 = tpu.memref_slice %arg2[%dma_wait3A_206, %dma_wait3A_207] : memref<100001x64xf32, #tpu.memory_space<hbm>> -> memref<128x64xf32, #tpu.memory_space<hbm>>
        %dma_wait3A_209 = arith.constant 0 : i32
        %dma_wait3A_210 = arith.constant 0 : i32
        %dma_wait3A_211 = tpu.memref_slice %arg2[%dma_wait3A_209, %dma_wait3A_210] : memref<100001x64xf32, #tpu.memory_space<hbm>> -> memref<128x64xf32, #tpu.memory_space<hbm>>
        tpu.wait_dma2 semaphore(%arg14 : memref<!tpu.dma_semaphore, #tpu.memory_space<semaphore_mem>>) src(%dma_wait3A_211 : memref<128x64xf32, #tpu.memory_space<hbm>>) dst(%arg10 : memref<128x64xf32, #tpu.memory_space<vmem>>)
        %dma_wait3A_212 = arith.constant 0 : i32
        %dma_wait3A_213 = arith.constant 0 : i32
        %dma_wait3A_214 = tpu.memref_slice %arg2[%dma_wait3A_212, %dma_wait3A_213] : memref<100001x64xf32, #tpu.memory_space<hbm>> -> memref<128x64xf32, #tpu.memory_space<hbm>>
        %dma_wait3A_215 = arith.constant 0 : i32
        %dma_wait3A_216 = arith.constant 0 : i32
        %dma_wait3A_217 = tpu.memref_slice %arg2[%dma_wait3A_215, %dma_wait3A_216] : memref<100001x64xf32, #tpu.memory_space<hbm>> -> memref<128x64xf32, #tpu.memory_space<hbm>>
        tpu.wait_dma2 semaphore(%arg14 : memref<!tpu.dma_semaphore, #tpu.memory_space<semaphore_mem>>) src(%dma_wait3A_217 : memref<128x64xf32, #tpu.memory_space<hbm>>) dst(%arg10 : memref<128x64xf32, #tpu.memory_space<vmem>>)
        %dma_wait3A_218 = arith.constant 0 : i32
        %dma_wait3A_219 = arith.constant 0 : i32
        %dma_wait3A_220 = tpu.memref_slice %arg2[%dma_wait3A_218, %dma_wait3A_219] : memref<100001x64xf32, #tpu.memory_space<hbm>> -> memref<128x64xf32, #tpu.memory_space<hbm>>
        %dma_wait3A_221 = arith.constant 0 : i32
        %dma_wait3A_222 = arith.constant 0 : i32
        %dma_wait3A_223 = tpu.memref_slice %arg2[%dma_wait3A_221, %dma_wait3A_222] : memref<100001x64xf32, #tpu.memory_space<hbm>> -> memref<128x64xf32, #tpu.memory_space<hbm>>
        tpu.wait_dma2 semaphore(%arg14 : memref<!tpu.dma_semaphore, #tpu.memory_space<semaphore_mem>>) src(%dma_wait3A_223 : memref<128x64xf32, #tpu.memory_space<hbm>>) dst(%arg10 : memref<128x64xf32, #tpu.memory_space<vmem>>)
        %add3A_224 = arith.addi %add3A_12, %add3A_199 : i32
        %mul3A_225 = arith.constant 128 : i32
        %mul3A_226 = arith.muli %add3A_224, %mul3A_225 : i32
        %dma_start3A_227 = arith.constant 0 : i32
        %dma_start3A_228 = tpu.memref_slice %arg7[%mul3A_226, %dma_start3A_227] : memref<819200x64xf32, #tpu.memory_space<hbm>> -> memref<128x64xf32, #tpu.memory_space<hbm>>
        %dma_start3A_229 = arith.constant 0 : i32
        %dma_start3A_230 = tpu.memref_slice %arg7[%mul3A_226, %dma_start3A_229] : memref<819200x64xf32, #tpu.memory_space<hbm>> -> memref<128x64xf32, #tpu.memory_space<hbm>>
        tpu.enqueue_dma source(%arg10 : memref<128x64xf32, #tpu.memory_space<vmem>>) target(%dma_start3A_230 : memref<128x64xf32, #tpu.memory_space<hbm>>) target_semaphore(%arg18 : memref<!tpu.dma_semaphore, #tpu.memory_space<semaphore_mem>>)
        %add3A_231 = arith.constant 4 : i32
        %add3A_232 = arith.addi %add3A_199, %add3A_231 : i32
        %sub3A_233 = arith.constant 1 : i32
        %sub3A_234 = arith.subi %add3A_232, %sub3A_233 : i32
        %lt3A_235 = arith.constant 40 : i32
        %lt3A_236 = arith.cmpi slt, %sub3A_234, %lt3A_235 : i32
        %convert_element_type3A_237 = arith.extui %lt3A_236 : i1 to i32
        %cond3A_238 = arith.constant 0 : i32
        %cond3A_239 = arith.cmpi ne, %convert_element_type3A_237, %cond3A_238 : i32
        scf.if %cond3A_239 {
          %ge3A = arith.constant 1 : i32
          %ge3A_328 = arith.cmpi sge, %add3A_199, %ge3A : i32
          %convert_element_type3A_329 = arith.extui %ge3A_328 : i1 to i32
          %cond3A_330 = arith.constant 0 : i32
          %cond3A_331 = arith.cmpi ne, %convert_element_type3A_329, %cond3A_330 : i32
          scf.if %cond3A_331 {
            %dma_wait3A_366 = arith.constant 0 : i32
            %dma_wait3A_367 = arith.constant 0 : i32
            %dma_wait3A_368 = tpu.memref_slice %arg7[%dma_wait3A_366, %dma_wait3A_367] : memref<819200x64xf32, #tpu.memory_space<hbm>> -> memref<128x64xf32, #tpu.memory_space<hbm>>
            %dma_wait3A_369 = arith.constant 0 : i32
            %dma_wait3A_370 = arith.constant 0 : i32
            %dma_wait3A_371 = tpu.memref_slice %arg7[%dma_wait3A_369, %dma_wait3A_370] : memref<819200x64xf32, #tpu.memory_space<hbm>> -> memref<128x64xf32, #tpu.memory_space<hbm>>
            tpu.wait_dma2 semaphore(%arg17 : memref<!tpu.dma_semaphore, #tpu.memory_space<semaphore_mem>>) src(%arg9 : memref<128x64xf32, #tpu.memory_space<vmem>>) dst(%dma_wait3A_371 : memref<128x64xf32, #tpu.memory_space<hbm>>)
          } else {
          }
          %scan3A_332 = arith.constant 0 : i32
          %scan3A_333 = arith.constant 0 : i32
          %scan3A_334 = arith.constant 128 : i32
          %scan3A_335 = arith.addi %scan3A_333, %scan3A_334 : i32
          %scan3A_336 = arith.constant 1 : i32
          scf.for %scan3A_366 = %scan3A_333 to %scan3A_335 step %scan3A_336  : i32 {
            %swap3A = arith.index_cast %scan3A_366 : i32 to index
            %swap3A_367 = arith.constant 0 : index
            %swap3A_368 = tpu.vector_load %arg9[%swap3A, %swap3A_367] {strides = array<i32>} : memref<128x64xf32, #tpu.memory_space<vmem>>, vector<1x16xf32>,
            %swap3A_369 = vector.shape_cast %swap3A_368 : vector<1x16xf32> to vector<16xf32>
            %swap3A_370 = vector.shape_cast %broadcast_in_dim3A_1 : vector<16xf32> to vector<1x16xf32>
            tpu.vector_store %arg9[%swap3A, %swap3A_367], %swap3A_370 {strides = array<i32>} : memref<128x64xf32, #tpu.memory_space<vmem>>, vector<1x16xf32>,
            %swap3A_371 = arith.index_cast %scan3A_366 : i32 to index
            %swap3A_372 = arith.constant 16 : index
            %swap3A_373 = tpu.vector_load %arg9[%swap3A_371, %swap3A_372] {strides = array<i32>} : memref<128x64xf32, #tpu.memory_space<vmem>>, vector<1x16xf32>,
            %swap3A_374 = vector.shape_cast %swap3A_373 : vector<1x16xf32> to vector<16xf32>
            %swap3A_375 = vector.shape_cast %broadcast_in_dim3A_1 : vector<16xf32> to vector<1x16xf32>
            tpu.vector_store %arg9[%swap3A_371, %swap3A_372], %swap3A_375 {strides = array<i32>} : memref<128x64xf32, #tpu.memory_space<vmem>>, vector<1x16xf32>,
            %swap3A_376 = arith.index_cast %scan3A_366 : i32 to index
            %swap3A_377 = arith.constant 32 : index
            %swap3A_378 = tpu.vector_load %arg9[%swap3A_376, %swap3A_377] {strides = array<i32>} : memref<128x64xf32, #tpu.memory_space<vmem>>, vector<1x16xf32>,
            %swap3A_379 = vector.shape_cast %swap3A_378 : vector<1x16xf32> to vector<16xf32>
            %swap3A_380 = vector.shape_cast %broadcast_in_dim3A_1 : vector<16xf32> to vector<1x16xf32>
            tpu.vector_store %arg9[%swap3A_376, %swap3A_377], %swap3A_380 {strides = array<i32>} : memref<128x64xf32, #tpu.memory_space<vmem>>, vector<1x16xf32>,
            %swap3A_381 = arith.index_cast %scan3A_366 : i32 to index
            %swap3A_382 = arith.constant 48 : index
            %swap3A_383 = tpu.vector_load %arg9[%swap3A_381, %swap3A_382] {strides = array<i32>} : memref<128x64xf32, #tpu.memory_space<vmem>>, vector<1x16xf32>,
            %swap3A_384 = vector.shape_cast %swap3A_383 : vector<1x16xf32> to vector<16xf32>
            %swap3A_385 = vector.shape_cast %broadcast_in_dim3A_1 : vector<16xf32> to vector<1x16xf32>
            tpu.vector_store %arg9[%swap3A_381, %swap3A_382], %swap3A_385 {strides = array<i32>} : memref<128x64xf32, #tpu.memory_space<vmem>>, vector<1x16xf32>,
          }
          %scan3A_337 = arith.constant 128 : i32
          %dma_start3A_338 = arith.constant 0 : i32
          %dma_start3A_339 = arith.constant 0 : i32
          %dma_start3A_340 = tpu.memref_slice %arg8[%sub3A_234, %dma_start3A_338, %dma_start3A_339] : memref<40x4x128xi32, #tpu.memory_space<vmem>> -> memref<1x1x128xi32, #tpu.memory_space<vmem>>
          %dma_start3A_341 = tpu.memref_squeeze %dma_start3A_340 : memref<1x1x128xi32, #tpu.memory_space<vmem>> -> memref<128xi32, #tpu.memory_space<vmem>>
          %dma_start3A_342 = arith.constant 0 : i32
          %dma_start3A_343 = arith.constant 0 : i32
          %dma_start3A_344 = tpu.memref_slice %arg2[%dma_start3A_342, %dma_start3A_343] : memref<100001x64xf32, #tpu.memory_space<hbm>> -> memref<100001x64xf32, #tpu.memory_space<hbm>>
          tpu.enqueue_indirect_dma source(%dma_start3A_344 : memref<100001x64xf32, #tpu.memory_space<hbm>>) target(%arg9 : memref<128x64xf32, #tpu.memory_space<vmem>>) offsets(%dma_start3A_341 : memref<128xi32, #tpu.memory_space<vmem>>) semaphore(%arg13 : memref<!tpu.dma_semaphore, #tpu.memory_space<semaphore_mem>>) {add = true}
          %dma_start3A_345 = arith.constant 1 : i32
          %dma_start3A_346 = arith.constant 0 : i32
          %dma_start3A_347 = tpu.memref_slice %arg8[%sub3A_234, %dma_start3A_345, %dma_start3A_346] : memref<40x4x128xi32, #tpu.memory_space<vmem>> -> memref<1x1x128xi32, #tpu.memory_space<vmem>>
          %dma_start3A_348 = tpu.memref_squeeze %dma_start3A_347 : memref<1x1x128xi32, #tpu.memory_space<vmem>> -> memref<128xi32, #tpu.memory_space<vmem>>
          %dma_start3A_349 = arith.constant 0 : i32
          %dma_start3A_350 = arith.constant 0 : i32
          %dma_start3A_351 = tpu.memref_slice %arg3[%dma_start3A_349, %dma_start3A_350] : memref<100001x64xf32, #tpu.memory_space<hbm>> -> memref<100001x64xf32, #tpu.memory_space<hbm>>
          tpu.enqueue_indirect_dma source(%dma_start3A_351 : memref<100001x64xf32, #tpu.memory_space<hbm>>) target(%arg9 : memref<128x64xf32, #tpu.memory_space<vmem>>) offsets(%dma_start3A_348 : memref<128xi32, #tpu.memory_space<vmem>>) semaphore(%arg13 : memref<!tpu.dma_semaphore, #tpu.memory_space<semaphore_mem>>) {add = true}
          %dma_start3A_352 = arith.constant 2 : i32
          %dma_start3A_353 = arith.constant 0 : i32
          %dma_start3A_354 = tpu.memref_slice %arg8[%sub3A_234, %dma_start3A_352, %dma_start3A_353] : memref<40x4x128xi32, #tpu.memory_space<vmem>> -> memref<1x1x128xi32, #tpu.memory_space<vmem>>
          %dma_start3A_355 = tpu.memref_squeeze %dma_start3A_354 : memref<1x1x128xi32, #tpu.memory_space<vmem>> -> memref<128xi32, #tpu.memory_space<vmem>>
          %dma_start3A_356 = arith.constant 0 : i32
          %dma_start3A_357 = arith.constant 0 : i32
          %dma_start3A_358 = tpu.memref_slice %arg4[%dma_start3A_356, %dma_start3A_357] : memref<100001x64xf32, #tpu.memory_space<hbm>> -> memref<100001x64xf32, #tpu.memory_space<hbm>>
          tpu.enqueue_indirect_dma source(%dma_start3A_358 : memref<100001x64xf32, #tpu.memory_space<hbm>>) target(%arg9 : memref<128x64xf32, #tpu.memory_space<vmem>>) offsets(%dma_start3A_355 : memref<128xi32, #tpu.memory_space<vmem>>) semaphore(%arg13 : memref<!tpu.dma_semaphore, #tpu.memory_space<semaphore_mem>>) {add = true}
          %dma_start3A_359 = arith.constant 3 : i32
          %dma_start3A_360 = arith.constant 0 : i32
          %dma_start3A_361 = tpu.memref_slice %arg8[%sub3A_234, %dma_start3A_359, %dma_start3A_360] : memref<40x4x128xi32, #tpu.memory_space<vmem>> -> memref<1x1x128xi32, #tpu.memory_space<vmem>>
          %dma_start3A_362 = tpu.memref_squeeze %dma_start3A_361 : memref<1x1x128xi32, #tpu.memory_space<vmem>> -> memref<128xi32, #tpu.memory_space<vmem>>
          %dma_start3A_363 = arith.constant 0 : i32
          %dma_start3A_364 = arith.constant 0 : i32
          %dma_start3A_365 = tpu.memref_slice %arg5[%dma_start3A_363, %dma_start3A_364] : memref<1001x64xf32, #tpu.memory_space<hbm>> -> memref<1001x64xf32, #tpu.memory_space<hbm>>
          tpu.enqueue_indirect_dma source(%dma_start3A_365 : memref<1001x64xf32, #tpu.memory_space<hbm>>) target(%arg9 : memref<128x64xf32, #tpu.memory_space<vmem>>) offsets(%dma_start3A_362 : memref<128xi32, #tpu.memory_space<vmem>>) semaphore(%arg13 : memref<!tpu.dma_semaphore, #tpu.memory_space<semaphore_mem>>) {add = true}
        } else {
        }
        %mul3A_240 = arith.constant 4 : i32
        %mul3A_241 = arith.muli %mul3A_240, %scan3A_155 : i32
        %add3A_242 = arith.constant 2 : i32
        %add3A_243 = arith.addi %mul3A_241, %add3A_242 : i32
        %dma_wait3A_244 = arith.constant 0 : i32
        %dma_wait3A_245 = arith.constant 0 : i32
        %dma_wait3A_246 = tpu.memref_slice %arg2[%dma_wait3A_244, %dma_wait3A_245] : memref<100001x64xf32, #tpu.memory_space<hbm>> -> memref<128x64xf32, #tpu.memory_space<hbm>>
        %dma_wait3A_247 = arith.constant 0 : i32
        %dma_wait3A_248 = arith.constant 0 : i32
        %dma_wait3A_249 = tpu.memref_slice %arg2[%dma_wait3A_247, %dma_wait3A_248] : memref<100001x64xf32, #tpu.memory_space<hbm>> -> memref<128x64xf32, #tpu.memory_space<hbm>>
        tpu.wait_dma2 semaphore(%arg15 : memref<!tpu.dma_semaphore, #tpu.memory_space<semaphore_mem>>) src(%dma_wait3A_249 : memref<128x64xf32, #tpu.memory_space<hbm>>) dst(%arg11 : memref<128x64xf32, #tpu.memory_space<vmem>>)
        %dma_wait3A_250 = arith.constant 0 : i32
        %dma_wait3A_251 = arith.constant 0 : i32
        %dma_wait3A_252 = tpu.memref_slice %arg2[%dma_wait3A_250, %dma_wait3A_251] : memref<100001x64xf32, #tpu.memory_space<hbm>> -> memref<128x64xf32, #tpu.memory_space<hbm>>
        %dma_wait3A_253 = arith.constant 0 : i32
        %dma_wait3A_254 = arith.constant 0 : i32
        %dma_wait3A_255 = tpu.memref_slice %arg2[%dma_wait3A_253, %dma_wait3A_254] : memref<100001x64xf32, #tpu.memory_space<hbm>> -> memref<128x64xf32, #tpu.memory_space<hbm>>
        tpu.wait_dma2 semaphore(%arg15 : memref<!tpu.dma_semaphore, #tpu.memory_space<semaphore_mem>>) src(%dma_wait3A_255 : memref<128x64xf32, #tpu.memory_space<hbm>>) dst(%arg11 : memref<128x64xf32, #tpu.memory_space<vmem>>)
        %dma_wait3A_256 = arith.constant 0 : i32
        %dma_wait3A_257 = arith.constant 0 : i32
        %dma_wait3A_258 = tpu.memref_slice %arg2[%dma_wait3A_256, %dma_wait3A_257] : memref<100001x64xf32, #tpu.memory_space<hbm>> -> memref<128x64xf32, #tpu.memory_space<hbm>>
        %dma_wait3A_259 = arith.constant 0 : i32
        %dma_wait3A_260 = arith.constant 0 : i32
        %dma_wait3A_261 = tpu.memref_slice %arg2[%dma_wait3A_259, %dma_wait3A_260] : memref<100001x64xf32, #tpu.memory_space<hbm>> -> memref<128x64xf32, #tpu.memory_space<hbm>>
        tpu.wait_dma2 semaphore(%arg15 : memref<!tpu.dma_semaphore, #tpu.memory_space<semaphore_mem>>) src(%dma_wait3A_261 : memref<128x64xf32, #tpu.memory_space<hbm>>) dst(%arg11 : memref<128x64xf32, #tpu.memory_space<vmem>>)
        %dma_wait3A_262 = arith.constant 0 : i32
        %dma_wait3A_263 = arith.constant 0 : i32
        %dma_wait3A_264 = tpu.memref_slice %arg2[%dma_wait3A_262, %dma_wait3A_263] : memref<100001x64xf32, #tpu.memory_space<hbm>> -> memref<128x64xf32, #tpu.memory_space<hbm>>
        %dma_wait3A_265 = arith.constant 0 : i32
        %dma_wait3A_266 = arith.constant 0 : i32
        %dma_wait3A_267 = tpu.memref_slice %arg2[%dma_wait3A_265, %dma_wait3A_266] : memref<100001x64xf32, #tpu.memory_space<hbm>> -> memref<128x64xf32, #tpu.memory_space<hbm>>
        tpu.wait_dma2 semaphore(%arg15 : memref<!tpu.dma_semaphore, #tpu.memory_space<semaphore_mem>>) src(%dma_wait3A_267 : memref<128x64xf32, #tpu.memory_space<hbm>>) dst(%arg11 : memref<128x64xf32, #tpu.memory_space<vmem>>)
        %add3A_268 = arith.addi %add3A_12, %add3A_243 : i32
        %mul3A_269 = arith.constant 128 : i32
        %mul3A_270 = arith.muli %add3A_268, %mul3A_269 : i32
        %dma_start3A_271 = arith.constant 0 : i32
        %dma_start3A_272 = tpu.memref_slice %arg7[%mul3A_270, %dma_start3A_271] : memref<819200x64xf32, #tpu.memory_space<hbm>> -> memref<128x64xf32, #tpu.memory_space<hbm>>
        %dma_start3A_273 = arith.constant 0 : i32
        %dma_start3A_274 = tpu.memref_slice %arg7[%mul3A_270, %dma_start3A_273] : memref<819200x64xf32, #tpu.memory_space<hbm>> -> memref<128x64xf32, #tpu.memory_space<hbm>>
        tpu.enqueue_dma source(%arg11 : memref<128x64xf32, #tpu.memory_space<vmem>>) target(%dma_start3A_274 : memref<128x64xf32, #tpu.memory_space<hbm>>) target_semaphore(%arg19 : memref<!tpu.dma_semaphore, #tpu.memory_space<semaphore_mem>>)
        %add3A_275 = arith.constant 4 : i32
        %add3A_276 = arith.addi %add3A_243, %add3A_275 : i32
        %sub3A_277 = arith.constant 1 : i32
        %sub3A_278 = arith.subi %add3A_276, %sub3A_277 : i32
        %lt3A_279 = arith.constant 40 : i32
        %lt3A_280 = arith.cmpi slt, %sub3A_278, %lt3A_279 : i32
        %convert_element_type3A_281 = arith.extui %lt3A_280 : i1 to i32
        %cond3A_282 = arith.constant 0 : i32
        %cond3A_283 = arith.cmpi ne, %convert_element_type3A_281, %cond3A_282 : i32
        scf.if %cond3A_283 {
          %ge3A = arith.constant 1 : i32
          %ge3A_328 = arith.cmpi sge, %add3A_243, %ge3A : i32
          %convert_element_type3A_329 = arith.extui %ge3A_328 : i1 to i32
          %cond3A_330 = arith.constant 0 : i32
          %cond3A_331 = arith.cmpi ne, %convert_element_type3A_329, %cond3A_330 : i32
          scf.if %cond3A_331 {
            %dma_wait3A_366 = arith.constant 0 : i32
            %dma_wait3A_367 = arith.constant 0 : i32
            %dma_wait3A_368 = tpu.memref_slice %arg7[%dma_wait3A_366, %dma_wait3A_367] : memref<819200x64xf32, #tpu.memory_space<hbm>> -> memref<128x64xf32, #tpu.memory_space<hbm>>
            %dma_wait3A_369 = arith.constant 0 : i32
            %dma_wait3A_370 = arith.constant 0 : i32
            %dma_wait3A_371 = tpu.memref_slice %arg7[%dma_wait3A_369, %dma_wait3A_370] : memref<819200x64xf32, #tpu.memory_space<hbm>> -> memref<128x64xf32, #tpu.memory_space<hbm>>
            tpu.wait_dma2 semaphore(%arg18 : memref<!tpu.dma_semaphore, #tpu.memory_space<semaphore_mem>>) src(%arg10 : memref<128x64xf32, #tpu.memory_space<vmem>>) dst(%dma_wait3A_371 : memref<128x64xf32, #tpu.memory_space<hbm>>)
          } else {
          }
          %scan3A_332 = arith.constant 0 : i32
          %scan3A_333 = arith.constant 0 : i32
          %scan3A_334 = arith.constant 128 : i32
          %scan3A_335 = arith.addi %scan3A_333, %scan3A_334 : i32
          %scan3A_336 = arith.constant 1 : i32
          scf.for %scan3A_366 = %scan3A_333 to %scan3A_335 step %scan3A_336  : i32 {
            %swap3A = arith.index_cast %scan3A_366 : i32 to index
            %swap3A_367 = arith.constant 0 : index
            %swap3A_368 = tpu.vector_load %arg10[%swap3A, %swap3A_367] {strides = array<i32>} : memref<128x64xf32, #tpu.memory_space<vmem>>, vector<1x16xf32>,
            %swap3A_369 = vector.shape_cast %swap3A_368 : vector<1x16xf32> to vector<16xf32>
            %swap3A_370 = vector.shape_cast %broadcast_in_dim3A_1 : vector<16xf32> to vector<1x16xf32>
            tpu.vector_store %arg10[%swap3A, %swap3A_367], %swap3A_370 {strides = array<i32>} : memref<128x64xf32, #tpu.memory_space<vmem>>, vector<1x16xf32>,
            %swap3A_371 = arith.index_cast %scan3A_366 : i32 to index
            %swap3A_372 = arith.constant 16 : index
            %swap3A_373 = tpu.vector_load %arg10[%swap3A_371, %swap3A_372] {strides = array<i32>} : memref<128x64xf32, #tpu.memory_space<vmem>>, vector<1x16xf32>,
            %swap3A_374 = vector.shape_cast %swap3A_373 : vector<1x16xf32> to vector<16xf32>
            %swap3A_375 = vector.shape_cast %broadcast_in_dim3A_1 : vector<16xf32> to vector<1x16xf32>
            tpu.vector_store %arg10[%swap3A_371, %swap3A_372], %swap3A_375 {strides = array<i32>} : memref<128x64xf32, #tpu.memory_space<vmem>>, vector<1x16xf32>,
            %swap3A_376 = arith.index_cast %scan3A_366 : i32 to index
            %swap3A_377 = arith.constant 32 : index
            %swap3A_378 = tpu.vector_load %arg10[%swap3A_376, %swap3A_377] {strides = array<i32>} : memref<128x64xf32, #tpu.memory_space<vmem>>, vector<1x16xf32>,
            %swap3A_379 = vector.shape_cast %swap3A_378 : vector<1x16xf32> to vector<16xf32>
            %swap3A_380 = vector.shape_cast %broadcast_in_dim3A_1 : vector<16xf32> to vector<1x16xf32>
            tpu.vector_store %arg10[%swap3A_376, %swap3A_377], %swap3A_380 {strides = array<i32>} : memref<128x64xf32, #tpu.memory_space<vmem>>, vector<1x16xf32>,
            %swap3A_381 = arith.index_cast %scan3A_366 : i32 to index
            %swap3A_382 = arith.constant 48 : index
            %swap3A_383 = tpu.vector_load %arg10[%swap3A_381, %swap3A_382] {strides = array<i32>} : memref<128x64xf32, #tpu.memory_space<vmem>>, vector<1x16xf32>,
            %swap3A_384 = vector.shape_cast %swap3A_383 : vector<1x16xf32> to vector<16xf32>
            %swap3A_385 = vector.shape_cast %broadcast_in_dim3A_1 : vector<16xf32> to vector<1x16xf32>
            tpu.vector_store %arg10[%swap3A_381, %swap3A_382], %swap3A_385 {strides = array<i32>} : memref<128x64xf32, #tpu.memory_space<vmem>>, vector<1x16xf32>,
          }
          %scan3A_337 = arith.constant 128 : i32
          %dma_start3A_338 = arith.constant 0 : i32
          %dma_start3A_339 = arith.constant 0 : i32
          %dma_start3A_340 = tpu.memref_slice %arg8[%sub3A_278, %dma_start3A_338, %dma_start3A_339] : memref<40x4x128xi32, #tpu.memory_space<vmem>> -> memref<1x1x128xi32, #tpu.memory_space<vmem>>
          %dma_start3A_341 = tpu.memref_squeeze %dma_start3A_340 : memref<1x1x128xi32, #tpu.memory_space<vmem>> -> memref<128xi32, #tpu.memory_space<vmem>>
          %dma_start3A_342 = arith.constant 0 : i32
          %dma_start3A_343 = arith.constant 0 : i32
          %dma_start3A_344 = tpu.memref_slice %arg2[%dma_start3A_342, %dma_start3A_343] : memref<100001x64xf32, #tpu.memory_space<hbm>> -> memref<100001x64xf32, #tpu.memory_space<hbm>>
          tpu.enqueue_indirect_dma source(%dma_start3A_344 : memref<100001x64xf32, #tpu.memory_space<hbm>>) target(%arg10 : memref<128x64xf32, #tpu.memory_space<vmem>>) offsets(%dma_start3A_341 : memref<128xi32, #tpu.memory_space<vmem>>) semaphore(%arg14 : memref<!tpu.dma_semaphore, #tpu.memory_space<semaphore_mem>>) {add = true}
          %dma_start3A_345 = arith.constant 1 : i32
          %dma_start3A_346 = arith.constant 0 : i32
          %dma_start3A_347 = tpu.memref_slice %arg8[%sub3A_278, %dma_start3A_345, %dma_start3A_346] : memref<40x4x128xi32, #tpu.memory_space<vmem>> -> memref<1x1x128xi32, #tpu.memory_space<vmem>>
          %dma_start3A_348 = tpu.memref_squeeze %dma_start3A_347 : memref<1x1x128xi32, #tpu.memory_space<vmem>> -> memref<128xi32, #tpu.memory_space<vmem>>
          %dma_start3A_349 = arith.constant 0 : i32
          %dma_start3A_350 = arith.constant 0 : i32
          %dma_start3A_351 = tpu.memref_slice %arg3[%dma_start3A_349, %dma_start3A_350] : memref<100001x64xf32, #tpu.memory_space<hbm>> -> memref<100001x64xf32, #tpu.memory_space<hbm>>
          tpu.enqueue_indirect_dma source(%dma_start3A_351 : memref<100001x64xf32, #tpu.memory_space<hbm>>) target(%arg10 : memref<128x64xf32, #tpu.memory_space<vmem>>) offsets(%dma_start3A_348 : memref<128xi32, #tpu.memory_space<vmem>>) semaphore(%arg14 : memref<!tpu.dma_semaphore, #tpu.memory_space<semaphore_mem>>) {add = true}
          %dma_start3A_352 = arith.constant 2 : i32
          %dma_start3A_353 = arith.constant 0 : i32
          %dma_start3A_354 = tpu.memref_slice %arg8[%sub3A_278, %dma_start3A_352, %dma_start3A_353] : memref<40x4x128xi32, #tpu.memory_space<vmem>> -> memref<1x1x128xi32, #tpu.memory_space<vmem>>
          %dma_start3A_355 = tpu.memref_squeeze %dma_start3A_354 : memref<1x1x128xi32, #tpu.memory_space<vmem>> -> memref<128xi32, #tpu.memory_space<vmem>>
          %dma_start3A_356 = arith.constant 0 : i32
          %dma_start3A_357 = arith.constant 0 : i32
          %dma_start3A_358 = tpu.memref_slice %arg4[%dma_start3A_356, %dma_start3A_357] : memref<100001x64xf32, #tpu.memory_space<hbm>> -> memref<100001x64xf32, #tpu.memory_space<hbm>>
          tpu.enqueue_indirect_dma source(%dma_start3A_358 : memref<100001x64xf32, #tpu.memory_space<hbm>>) target(%arg10 : memref<128x64xf32, #tpu.memory_space<vmem>>) offsets(%dma_start3A_355 : memref<128xi32, #tpu.memory_space<vmem>>) semaphore(%arg14 : memref<!tpu.dma_semaphore, #tpu.memory_space<semaphore_mem>>) {add = true}
          %dma_start3A_359 = arith.constant 3 : i32
          %dma_start3A_360 = arith.constant 0 : i32
          %dma_start3A_361 = tpu.memref_slice %arg8[%sub3A_278, %dma_start3A_359, %dma_start3A_360] : memref<40x4x128xi32, #tpu.memory_space<vmem>> -> memref<1x1x128xi32, #tpu.memory_space<vmem>>
          %dma_start3A_362 = tpu.memref_squeeze %dma_start3A_361 : memref<1x1x128xi32, #tpu.memory_space<vmem>> -> memref<128xi32, #tpu.memory_space<vmem>>
          %dma_start3A_363 = arith.constant 0 : i32
          %dma_start3A_364 = arith.constant 0 : i32
          %dma_start3A_365 = tpu.memref_slice %arg5[%dma_start3A_363, %dma_start3A_364] : memref<1001x64xf32, #tpu.memory_space<hbm>> -> memref<1001x64xf32, #tpu.memory_space<hbm>>
          tpu.enqueue_indirect_dma source(%dma_start3A_365 : memref<1001x64xf32, #tpu.memory_space<hbm>>) target(%arg10 : memref<128x64xf32, #tpu.memory_space<vmem>>) offsets(%dma_start3A_362 : memref<128xi32, #tpu.memory_space<vmem>>) semaphore(%arg14 : memref<!tpu.dma_semaphore, #tpu.memory_space<semaphore_mem>>) {add = true}
        } else {
        }
        %mul3A_284 = arith.constant 4 : i32
        %mul3A_285 = arith.muli %mul3A_284, %scan3A_155 : i32
        %add3A_286 = arith.constant 3 : i32
        %add3A_287 = arith.addi %mul3A_285, %add3A_286 : i32
        %dma_wait3A_288 = arith.constant 0 : i32
        %dma_wait3A_289 = arith.constant 0 : i32
        %dma_wait3A_290 = tpu.memref_slice %arg2[%dma_wait3A_288, %dma_wait3A_289] : memref<100001x64xf32, #tpu.memory_space<hbm>> -> memref<128x64xf32, #tpu.memory_space<hbm>>
        %dma_wait3A_291 = arith.constant 0 : i32
        %dma_wait3A_292 = arith.constant 0 : i32
        %dma_wait3A_293 = tpu.memref_slice %arg2[%dma_wait3A_291, %dma_wait3A_292] : memref<100001x64xf32, #tpu.memory_space<hbm>> -> memref<128x64xf32, #tpu.memory_space<hbm>>
        tpu.wait_dma2 semaphore(%arg16 : memref<!tpu.dma_semaphore, #tpu.memory_space<semaphore_mem>>) src(%dma_wait3A_293 : memref<128x64xf32, #tpu.memory_space<hbm>>) dst(%arg12 : memref<128x64xf32, #tpu.memory_space<vmem>>)
        %dma_wait3A_294 = arith.constant 0 : i32
        %dma_wait3A_295 = arith.constant 0 : i32
        %dma_wait3A_296 = tpu.memref_slice %arg2[%dma_wait3A_294, %dma_wait3A_295] : memref<100001x64xf32, #tpu.memory_space<hbm>> -> memref<128x64xf32, #tpu.memory_space<hbm>>
        %dma_wait3A_297 = arith.constant 0 : i32
        %dma_wait3A_298 = arith.constant 0 : i32
        %dma_wait3A_299 = tpu.memref_slice %arg2[%dma_wait3A_297, %dma_wait3A_298] : memref<100001x64xf32, #tpu.memory_space<hbm>> -> memref<128x64xf32, #tpu.memory_space<hbm>>
        tpu.wait_dma2 semaphore(%arg16 : memref<!tpu.dma_semaphore, #tpu.memory_space<semaphore_mem>>) src(%dma_wait3A_299 : memref<128x64xf32, #tpu.memory_space<hbm>>) dst(%arg12 : memref<128x64xf32, #tpu.memory_space<vmem>>)
        %dma_wait3A_300 = arith.constant 0 : i32
        %dma_wait3A_301 = arith.constant 0 : i32
        %dma_wait3A_302 = tpu.memref_slice %arg2[%dma_wait3A_300, %dma_wait3A_301] : memref<100001x64xf32, #tpu.memory_space<hbm>> -> memref<128x64xf32, #tpu.memory_space<hbm>>
        %dma_wait3A_303 = arith.constant 0 : i32
        %dma_wait3A_304 = arith.constant 0 : i32
        %dma_wait3A_305 = tpu.memref_slice %arg2[%dma_wait3A_303, %dma_wait3A_304] : memref<100001x64xf32, #tpu.memory_space<hbm>> -> memref<128x64xf32, #tpu.memory_space<hbm>>
        tpu.wait_dma2 semaphore(%arg16 : memref<!tpu.dma_semaphore, #tpu.memory_space<semaphore_mem>>) src(%dma_wait3A_305 : memref<128x64xf32, #tpu.memory_space<hbm>>) dst(%arg12 : memref<128x64xf32, #tpu.memory_space<vmem>>)
        %dma_wait3A_306 = arith.constant 0 : i32
        %dma_wait3A_307 = arith.constant 0 : i32
        %dma_wait3A_308 = tpu.memref_slice %arg2[%dma_wait3A_306, %dma_wait3A_307] : memref<100001x64xf32, #tpu.memory_space<hbm>> -> memref<128x64xf32, #tpu.memory_space<hbm>>
        %dma_wait3A_309 = arith.constant 0 : i32
        %dma_wait3A_310 = arith.constant 0 : i32
        %dma_wait3A_311 = tpu.memref_slice %arg2[%dma_wait3A_309, %dma_wait3A_310] : memref<100001x64xf32, #tpu.memory_space<hbm>> -> memref<128x64xf32, #tpu.memory_space<hbm>>
        tpu.wait_dma2 semaphore(%arg16 : memref<!tpu.dma_semaphore, #tpu.memory_space<semaphore_mem>>) src(%dma_wait3A_311 : memref<128x64xf32, #tpu.memory_space<hbm>>) dst(%arg12 : memref<128x64xf32, #tpu.memory_space<vmem>>)
        %add3A_312 = arith.addi %add3A_12, %add3A_287 : i32
        %mul3A_313 = arith.constant 128 : i32
        %mul3A_314 = arith.muli %add3A_312, %mul3A_313 : i32
        %dma_start3A_315 = arith.constant 0 : i32
        %dma_start3A_316 = tpu.memref_slice %arg7[%mul3A_314, %dma_start3A_315] : memref<819200x64xf32, #tpu.memory_space<hbm>> -> memref<128x64xf32, #tpu.memory_space<hbm>>
        %dma_start3A_317 = arith.constant 0 : i32
        %dma_start3A_318 = tpu.memref_slice %arg7[%mul3A_314, %dma_start3A_317] : memref<819200x64xf32, #tpu.memory_space<hbm>> -> memref<128x64xf32, #tpu.memory_space<hbm>>
        tpu.enqueue_dma source(%arg12 : memref<128x64xf32, #tpu.memory_space<vmem>>) target(%dma_start3A_318 : memref<128x64xf32, #tpu.memory_space<hbm>>) target_semaphore(%arg20 : memref<!tpu.dma_semaphore, #tpu.memory_space<semaphore_mem>>)
        %add3A_319 = arith.constant 4 : i32
        %add3A_320 = arith.addi %add3A_287, %add3A_319 : i32
        %sub3A_321 = arith.constant 1 : i32
        %sub3A_322 = arith.subi %add3A_320, %sub3A_321 : i32
        %lt3A_323 = arith.constant 40 : i32
        %lt3A_324 = arith.cmpi slt, %sub3A_322, %lt3A_323 : i32
        %convert_element_type3A_325 = arith.extui %lt3A_324 : i1 to i32
        %cond3A_326 = arith.constant 0 : i32
        %cond3A_327 = arith.cmpi ne, %convert_element_type3A_325, %cond3A_326 : i32
        scf.if %cond3A_327 {
          %ge3A = arith.constant 1 : i32
          %ge3A_328 = arith.cmpi sge, %add3A_287, %ge3A : i32
          %convert_element_type3A_329 = arith.extui %ge3A_328 : i1 to i32
          %cond3A_330 = arith.constant 0 : i32
          %cond3A_331 = arith.cmpi ne, %convert_element_type3A_329, %cond3A_330 : i32
          scf.if %cond3A_331 {
            %dma_wait3A_366 = arith.constant 0 : i32
            %dma_wait3A_367 = arith.constant 0 : i32
            %dma_wait3A_368 = tpu.memref_slice %arg7[%dma_wait3A_366, %dma_wait3A_367] : memref<819200x64xf32, #tpu.memory_space<hbm>> -> memref<128x64xf32, #tpu.memory_space<hbm>>
            %dma_wait3A_369 = arith.constant 0 : i32
            %dma_wait3A_370 = arith.constant 0 : i32
            %dma_wait3A_371 = tpu.memref_slice %arg7[%dma_wait3A_369, %dma_wait3A_370] : memref<819200x64xf32, #tpu.memory_space<hbm>> -> memref<128x64xf32, #tpu.memory_space<hbm>>
            tpu.wait_dma2 semaphore(%arg19 : memref<!tpu.dma_semaphore, #tpu.memory_space<semaphore_mem>>) src(%arg11 : memref<128x64xf32, #tpu.memory_space<vmem>>) dst(%dma_wait3A_371 : memref<128x64xf32, #tpu.memory_space<hbm>>)
          } else {
          }
          %scan3A_332 = arith.constant 0 : i32
          %scan3A_333 = arith.constant 0 : i32
          %scan3A_334 = arith.constant 128 : i32
          %scan3A_335 = arith.addi %scan3A_333, %scan3A_334 : i32
          %scan3A_336 = arith.constant 1 : i32
          scf.for %scan3A_366 = %scan3A_333 to %scan3A_335 step %scan3A_336  : i32 {
            %swap3A = arith.index_cast %scan3A_366 : i32 to index
            %swap3A_367 = arith.constant 0 : index
            %swap3A_368 = tpu.vector_load %arg11[%swap3A, %swap3A_367] {strides = array<i32>} : memref<128x64xf32, #tpu.memory_space<vmem>>, vector<1x16xf32>,
            %swap3A_369 = vector.shape_cast %swap3A_368 : vector<1x16xf32> to vector<16xf32>
            %swap3A_370 = vector.shape_cast %broadcast_in_dim3A_1 : vector<16xf32> to vector<1x16xf32>
            tpu.vector_store %arg11[%swap3A, %swap3A_367], %swap3A_370 {strides = array<i32>} : memref<128x64xf32, #tpu.memory_space<vmem>>, vector<1x16xf32>,
            %swap3A_371 = arith.index_cast %scan3A_366 : i32 to index
            %swap3A_372 = arith.constant 16 : index
            %swap3A_373 = tpu.vector_load %arg11[%swap3A_371, %swap3A_372] {strides = array<i32>} : memref<128x64xf32, #tpu.memory_space<vmem>>, vector<1x16xf32>,
            %swap3A_374 = vector.shape_cast %swap3A_373 : vector<1x16xf32> to vector<16xf32>
            %swap3A_375 = vector.shape_cast %broadcast_in_dim3A_1 : vector<16xf32> to vector<1x16xf32>
            tpu.vector_store %arg11[%swap3A_371, %swap3A_372], %swap3A_375 {strides = array<i32>} : memref<128x64xf32, #tpu.memory_space<vmem>>, vector<1x16xf32>,
            %swap3A_376 = arith.index_cast %scan3A_366 : i32 to index
            %swap3A_377 = arith.constant 32 : index
            %swap3A_378 = tpu.vector_load %arg11[%swap3A_376, %swap3A_377] {strides = array<i32>} : memref<128x64xf32, #tpu.memory_space<vmem>>, vector<1x16xf32>,
            %swap3A_379 = vector.shape_cast %swap3A_378 : vector<1x16xf32> to vector<16xf32>
            %swap3A_380 = vector.shape_cast %broadcast_in_dim3A_1 : vector<16xf32> to vector<1x16xf32>
            tpu.vector_store %arg11[%swap3A_376, %swap3A_377], %swap3A_380 {strides = array<i32>} : memref<128x64xf32, #tpu.memory_space<vmem>>, vector<1x16xf32>,
            %swap3A_381 = arith.index_cast %scan3A_366 : i32 to index
            %swap3A_382 = arith.constant 48 : index
            %swap3A_383 = tpu.vector_load %arg11[%swap3A_381, %swap3A_382] {strides = array<i32>} : memref<128x64xf32, #tpu.memory_space<vmem>>, vector<1x16xf32>,
            %swap3A_384 = vector.shape_cast %swap3A_383 : vector<1x16xf32> to vector<16xf32>
            %swap3A_385 = vector.shape_cast %broadcast_in_dim3A_1 : vector<16xf32> to vector<1x16xf32>
            tpu.vector_store %arg11[%swap3A_381, %swap3A_382], %swap3A_385 {strides = array<i32>} : memref<128x64xf32, #tpu.memory_space<vmem>>, vector<1x16xf32>,
          }
          %scan3A_337 = arith.constant 128 : i32
          %dma_start3A_338 = arith.constant 0 : i32
          %dma_start3A_339 = arith.constant 0 : i32
          %dma_start3A_340 = tpu.memref_slice %arg8[%sub3A_322, %dma_start3A_338, %dma_start3A_339] : memref<40x4x128xi32, #tpu.memory_space<vmem>> -> memref<1x1x128xi32, #tpu.memory_space<vmem>>
          %dma_start3A_341 = tpu.memref_squeeze %dma_start3A_340 : memref<1x1x128xi32, #tpu.memory_space<vmem>> -> memref<128xi32, #tpu.memory_space<vmem>>
          %dma_start3A_342 = arith.constant 0 : i32
          %dma_start3A_343 = arith.constant 0 : i32
          %dma_start3A_344 = tpu.memref_slice %arg2[%dma_start3A_342, %dma_start3A_343] : memref<100001x64xf32, #tpu.memory_space<hbm>> -> memref<100001x64xf32, #tpu.memory_space<hbm>>
          tpu.enqueue_indirect_dma source(%dma_start3A_344 : memref<100001x64xf32, #tpu.memory_space<hbm>>) target(%arg11 : memref<128x64xf32, #tpu.memory_space<vmem>>) offsets(%dma_start3A_341 : memref<128xi32, #tpu.memory_space<vmem>>) semaphore(%arg15 : memref<!tpu.dma_semaphore, #tpu.memory_space<semaphore_mem>>) {add = true}
          %dma_start3A_345 = arith.constant 1 : i32
          %dma_start3A_346 = arith.constant 0 : i32
          %dma_start3A_347 = tpu.memref_slice %arg8[%sub3A_322, %dma_start3A_345, %dma_start3A_346] : memref<40x4x128xi32, #tpu.memory_space<vmem>> -> memref<1x1x128xi32, #tpu.memory_space<vmem>>
          %dma_start3A_348 = tpu.memref_squeeze %dma_start3A_347 : memref<1x1x128xi32, #tpu.memory_space<vmem>> -> memref<128xi32, #tpu.memory_space<vmem>>
          %dma_start3A_349 = arith.constant 0 : i32
          %dma_start3A_350 = arith.constant 0 : i32
          %dma_start3A_351 = tpu.memref_slice %arg3[%dma_start3A_349, %dma_start3A_350] : memref<100001x64xf32, #tpu.memory_space<hbm>> -> memref<100001x64xf32, #tpu.memory_space<hbm>>
          tpu.enqueue_indirect_dma source(%dma_start3A_351 : memref<100001x64xf32, #tpu.memory_space<hbm>>) target(%arg11 : memref<128x64xf32, #tpu.memory_space<vmem>>) offsets(%dma_start3A_348 : memref<128xi32, #tpu.memory_space<vmem>>) semaphore(%arg15 : memref<!tpu.dma_semaphore, #tpu.memory_space<semaphore_mem>>) {add = true}
          %dma_start3A_352 = arith.constant 2 : i32
          %dma_start3A_353 = arith.constant 0 : i32
          %dma_start3A_354 = tpu.memref_slice %arg8[%sub3A_322, %dma_start3A_352, %dma_start3A_353] : memref<40x4x128xi32, #tpu.memory_space<vmem>> -> memref<1x1x128xi32, #tpu.memory_space<vmem>>
          %dma_start3A_355 = tpu.memref_squeeze %dma_start3A_354 : memref<1x1x128xi32, #tpu.memory_space<vmem>> -> memref<128xi32, #tpu.memory_space<vmem>>
          %dma_start3A_356 = arith.constant 0 : i32
          %dma_start3A_357 = arith.constant 0 : i32
          %dma_start3A_358 = tpu.memref_slice %arg4[%dma_start3A_356, %dma_start3A_357] : memref<100001x64xf32, #tpu.memory_space<hbm>> -> memref<100001x64xf32, #tpu.memory_space<hbm>>
          tpu.enqueue_indirect_dma source(%dma_start3A_358 : memref<100001x64xf32, #tpu.memory_space<hbm>>) target(%arg11 : memref<128x64xf32, #tpu.memory_space<vmem>>) offsets(%dma_start3A_355 : memref<128xi32, #tpu.memory_space<vmem>>) semaphore(%arg15 : memref<!tpu.dma_semaphore, #tpu.memory_space<semaphore_mem>>) {add = true}
          %dma_start3A_359 = arith.constant 3 : i32
          %dma_start3A_360 = arith.constant 0 : i32
          %dma_start3A_361 = tpu.memref_slice %arg8[%sub3A_322, %dma_start3A_359, %dma_start3A_360] : memref<40x4x128xi32, #tpu.memory_space<vmem>> -> memref<1x1x128xi32, #tpu.memory_space<vmem>>
          %dma_start3A_362 = tpu.memref_squeeze %dma_start3A_361 : memref<1x1x128xi32, #tpu.memory_space<vmem>> -> memref<128xi32, #tpu.memory_space<vmem>>
          %dma_start3A_363 = arith.constant 0 : i32
          %dma_start3A_364 = arith.constant 0 : i32
          %dma_start3A_365 = tpu.memref_slice %arg5[%dma_start3A_363, %dma_start3A_364] : memref<1001x64xf32, #tpu.memory_space<hbm>> -> memref<1001x64xf32, #tpu.memory_space<hbm>>
          tpu.enqueue_indirect_dma source(%dma_start3A_365 : memref<1001x64xf32, #tpu.memory_space<hbm>>) target(%arg11 : memref<128x64xf32, #tpu.memory_space<vmem>>) offsets(%dma_start3A_362 : memref<128xi32, #tpu.memory_space<vmem>>) semaphore(%arg15 : memref<!tpu.dma_semaphore, #tpu.memory_space<semaphore_mem>>) {add = true}
        } else {
        }
      }
      %scan3A_131 = arith.constant 10 : i32
      %dma_wait3A = arith.constant 0 : i32
      %dma_wait3A_132 = arith.constant 0 : i32
      %dma_wait3A_133 = tpu.memref_slice %arg7[%dma_wait3A, %dma_wait3A_132] : memref<819200x64xf32, #tpu.memory_space<hbm>> -> memref<128x64xf32, #tpu.memory_space<hbm>>
      %dma_wait3A_134 = arith.constant 0 : i32
      %dma_wait3A_135 = arith.constant 0 : i32
      %dma_wait3A_136 = tpu.memref_slice %arg7[%dma_wait3A_134, %dma_wait3A_135] : memref<819200x64xf32, #tpu.memory_space<hbm>> -> memref<128x64xf32, #tpu.memory_space<hbm>>
      tpu.wait_dma2 semaphore(%arg17 : memref<!tpu.dma_semaphore, #tpu.memory_space<semaphore_mem>>) src(%arg9 : memref<128x64xf32, #tpu.memory_space<vmem>>) dst(%dma_wait3A_136 : memref<128x64xf32, #tpu.memory_space<hbm>>)
      %dma_wait3A_137 = arith.constant 0 : i32
      %dma_wait3A_138 = arith.constant 0 : i32
      %dma_wait3A_139 = tpu.memref_slice %arg7[%dma_wait3A_137, %dma_wait3A_138] : memref<819200x64xf32, #tpu.memory_space<hbm>> -> memref<128x64xf32, #tpu.memory_space<hbm>>
      %dma_wait3A_140 = arith.constant 0 : i32
      %dma_wait3A_141 = arith.constant 0 : i32
      %dma_wait3A_142 = tpu.memref_slice %arg7[%dma_wait3A_140, %dma_wait3A_141] : memref<819200x64xf32, #tpu.memory_space<hbm>> -> memref<128x64xf32, #tpu.memory_space<hbm>>
      tpu.wait_dma2 semaphore(%arg18 : memref<!tpu.dma_semaphore, #tpu.memory_space<semaphore_mem>>) src(%arg10 : memref<128x64xf32, #tpu.memory_space<vmem>>) dst(%dma_wait3A_142 : memref<128x64xf32, #tpu.memory_space<hbm>>)
      %dma_wait3A_143 = arith.constant 0 : i32
      %dma_wait3A_144 = arith.constant 0 : i32
      %dma_wait3A_145 = tpu.memref_slice %arg7[%dma_wait3A_143, %dma_wait3A_144] : memref<819200x64xf32, #tpu.memory_space<hbm>> -> memref<128x64xf32, #tpu.memory_space<hbm>>
      %dma_wait3A_146 = arith.constant 0 : i32
      %dma_wait3A_147 = arith.constant 0 : i32
      %dma_wait3A_148 = tpu.memref_slice %arg7[%dma_wait3A_146, %dma_wait3A_147] : memref<819200x64xf32, #tpu.memory_space<hbm>> -> memref<128x64xf32, #tpu.memory_space<hbm>>
      tpu.wait_dma2 semaphore(%arg19 : memref<!tpu.dma_semaphore, #tpu.memory_space<semaphore_mem>>) src(%arg11 : memref<128x64xf32, #tpu.memory_space<vmem>>) dst(%dma_wait3A_148 : memref<128x64xf32, #tpu.memory_space<hbm>>)
      %dma_wait3A_149 = arith.constant 0 : i32
      %dma_wait3A_150 = arith.constant 0 : i32
      %dma_wait3A_151 = tpu.memref_slice %arg7[%dma_wait3A_149, %dma_wait3A_150] : memref<819200x64xf32, #tpu.memory_space<hbm>> -> memref<128x64xf32, #tpu.memory_space<hbm>>
      %dma_wait3A_152 = arith.constant 0 : i32
      %dma_wait3A_153 = arith.constant 0 : i32
      %dma_wait3A_154 = tpu.memref_slice %arg7[%dma_wait3A_152, %dma_wait3A_153] : memref<819200x64xf32, #tpu.memory_space<hbm>> -> memref<128x64xf32, #tpu.memory_space<hbm>>
      tpu.wait_dma2 semaphore(%arg20 : memref<!tpu.dma_semaphore, #tpu.memory_space<semaphore_mem>>) src(%arg12 : memref<128x64xf32, #tpu.memory_space<vmem>>) dst(%dma_wait3A_154 : memref<128x64xf32, #tpu.memory_space<hbm>>)
    }
    %scan3A_6 = arith.constant 5 : i32
    return
  }
}

module attributes {stable_mosaic.version = 14 : i64} {
  func.func @_proj_small_body(%arg0: memref<1001x64xf32, #tpu.memory_space<vmem>>, %arg1: memref<5x64xf32, #tpu.memory_space<vmem>>, %arg2: memref<64x64xf32, #tpu.memory_space<vmem>>, %arg3: memref<64x64xf32, #tpu.memory_space<vmem>>, %arg4: memref<64x64xf32, #tpu.memory_space<vmem>>, %arg5: memref<1x64xf32, #tpu.memory_space<vmem>>, %arg6: memref<1x64xf32, #tpu.memory_space<vmem>>, %arg7: memref<1x64xf32, #tpu.memory_space<vmem>>, %arg8: memref<1001x64xf32, #tpu.memory_space<vmem>>, %arg9: memref<5x64xf32, #tpu.memory_space<vmem>>, %arg10: memref<1x64xf32, #tpu.memory_space<vmem>>, %arg11: memref<1x64xf32, #tpu.memory_space<vmem>>) attributes {dimension_semantics = [], scalar_prefetch = 0 : i64, scratch_operands = 0 : i64, tpu.core_type = #tpu.core_type<tc>} {
    %get3A = arith.constant 0 : index
    %get3A_0 = arith.constant 0 : index
    %get3A_1 = vector.load %arg0[%get3A, %get3A_0] : memref<1001x64xf32, #tpu.memory_space<vmem>>, vector<1001x64xf32>
    %get3A_2 = arith.constant 0 : index
    %get3A_3 = arith.constant 0 : index
    %get3A_4 = vector.load %arg2[%get3A_2, %get3A_3] : memref<64x64xf32, #tpu.memory_space<vmem>>, vector<64x64xf32>
    %dot_general3A = arith.constant dense<0.000000e+00> : vector<1001x64xf32>
    %dot_general3A_5 = tpu.matmul %get3A_1, %get3A_4, %dot_general3A {dimension_numbers = #tpu.dot_dimension_numbers<[1], [1], [0], [0], [0, 0, 1, 0], [], []>, transpose_lhs_hint = false} : vector<1001x64xf32>, vector<64x64xf32>, vector<1001x64xf32> -> vector<1001x64xf32>
    %swap3A = arith.constant 0 : index
    %swap3A_6 = arith.constant 0 : index
    %swap3A_7 = vector.load %arg8[%swap3A, %swap3A_6] : memref<1001x64xf32, #tpu.memory_space<vmem>>, vector<1001x64xf32>
    tpu.vector_store %arg8[%swap3A, %swap3A_6], %dot_general3A_5 {strides = array<i32>} : memref<1001x64xf32, #tpu.memory_space<vmem>>, vector<1001x64xf32>,
    %get3A_8 = arith.constant 0 : index
    %get3A_9 = arith.constant 0 : index
    %get3A_10 = vector.load %arg1[%get3A_8, %get3A_9] : memref<5x64xf32, #tpu.memory_space<vmem>>, vector<5x64xf32>
    %get3A_11 = arith.constant 0 : index
    %get3A_12 = arith.constant 0 : index
    %get3A_13 = vector.load %arg3[%get3A_11, %get3A_12] : memref<64x64xf32, #tpu.memory_space<vmem>>, vector<64x64xf32>
    %dot_general3A_14 = arith.constant dense<0.000000e+00> : vector<5x64xf32>
    %dot_general3A_15 = tpu.matmul %get3A_10, %get3A_13, %dot_general3A_14 {dimension_numbers = #tpu.dot_dimension_numbers<[1], [1], [0], [0], [0, 0, 1, 0], [], []>, transpose_lhs_hint = false} : vector<5x64xf32>, vector<64x64xf32>, vector<5x64xf32> -> vector<5x64xf32>
    %swap3A_16 = arith.constant 0 : index
    %swap3A_17 = arith.constant 0 : index
    %swap3A_18 = vector.load %arg9[%swap3A_16, %swap3A_17] : memref<5x64xf32, #tpu.memory_space<vmem>>, vector<5x64xf32>
    tpu.vector_store %arg9[%swap3A_16, %swap3A_17], %dot_general3A_15 {strides = array<i32>} : memref<5x64xf32, #tpu.memory_space<vmem>>, vector<5x64xf32>,
    %get3A_19 = arith.constant 0 : index
    %get3A_20 = arith.constant 0 : index
    %get3A_21 = vector.load %arg5[%get3A_19, %get3A_20] : memref<1x64xf32, #tpu.memory_space<vmem>>, vector<1x64xf32>
    %get3A_22 = arith.constant 0 : index
    %get3A_23 = arith.constant 0 : index
    %get3A_24 = vector.load %arg4[%get3A_22, %get3A_23] : memref<64x64xf32, #tpu.memory_space<vmem>>, vector<64x64xf32>
    %dot_general3A_25 = arith.constant dense<0.000000e+00> : vector<1x64xf32>
    %dot_general3A_26 = tpu.matmul %get3A_21, %get3A_24, %dot_general3A_25 {dimension_numbers = #tpu.dot_dimension_numbers<[1], [1], [0], [0], [0, 0, 1, 0], [], []>, transpose_lhs_hint = false} : vector<1x64xf32>, vector<64x64xf32>, vector<1x64xf32> -> vector<1x64xf32>
    %swap3A_27 = arith.constant 0 : index
    %swap3A_28 = arith.constant 0 : index
    %swap3A_29 = vector.load %arg10[%swap3A_27, %swap3A_28] : memref<1x64xf32, #tpu.memory_space<vmem>>, vector<1x64xf32>
    tpu.vector_store %arg10[%swap3A_27, %swap3A_28], %dot_general3A_26 {strides = array<i32>} : memref<1x64xf32, #tpu.memory_space<vmem>>, vector<1x64xf32>,
    %get3A_30 = arith.constant 0 : index
    %get3A_31 = arith.constant 0 : index
    %get3A_32 = vector.load %arg6[%get3A_30, %get3A_31] : memref<1x64xf32, #tpu.memory_space<vmem>>, vector<1x64xf32>
    %get3A_33 = arith.constant 0 : index
    %get3A_34 = arith.constant 0 : index
    %get3A_35 = vector.load %arg4[%get3A_33, %get3A_34] : memref<64x64xf32, #tpu.memory_space<vmem>>, vector<64x64xf32>
    %dot_general3A_36 = arith.constant dense<0.000000e+00> : vector<1x64xf32>
    %dot_general3A_37 = tpu.matmul %get3A_32, %get3A_35, %dot_general3A_36 {dimension_numbers = #tpu.dot_dimension_numbers<[1], [1], [0], [0], [0, 0, 1, 0], [], []>, transpose_lhs_hint = false} : vector<1x64xf32>, vector<64x64xf32>, vector<1x64xf32> -> vector<1x64xf32>
    %get3A_38 = arith.constant 0 : index
    %get3A_39 = arith.constant 0 : index
    %get3A_40 = vector.load %arg7[%get3A_38, %get3A_39] : memref<1x64xf32, #tpu.memory_space<vmem>>, vector<1x64xf32>
    %add3A = arith.addf %dot_general3A_37, %get3A_40 : vector<1x64xf32>
    %swap3A_41 = arith.constant 0 : index
    %swap3A_42 = arith.constant 0 : index
    %swap3A_43 = vector.load %arg11[%swap3A_41, %swap3A_42] : memref<1x64xf32, #tpu.memory_space<vmem>>, vector<1x64xf32>
    tpu.vector_store %arg11[%swap3A_41, %swap3A_42], %add3A {strides = array<i32>} : memref<1x64xf32, #tpu.memory_space<vmem>>, vector<1x64xf32>,
    return
  }
}

module attributes {stable_mosaic.version = 14 : i64} {
  func.func @_proj1_body(%arg0: i32, %arg1: memref<8192x64xf32, #tpu.memory_space<vmem>>, %arg2: memref<64x64xf32, #tpu.memory_space<vmem>>, %arg3: memref<8192x64xf32, #tpu.memory_space<vmem>>) attributes {dimension_semantics = [#tpu.dimension_semantics<arbitrary>], iteration_bounds = array<i64: 13>, scalar_prefetch = 0 : i64, scratch_operands = 0 : i64, tpu.core_type = #tpu.core_type<tc>, window_params = [{transform_indices = @transform_0, window_bounds = array<i64: 8192, 64>}, {pipeline_mode = #tpu.pipeline_mode<synchronous>, transform_indices = @transform_1, window_bounds = array<i64: 64, 64>}, {transform_indices = @transform_2, window_bounds = array<i64: 8192, 64>}]} {
    %get3A = arith.constant 0 : index
    %get3A_0 = arith.constant 0 : index
    %get3A_1 = vector.load %arg1[%get3A, %get3A_0] : memref<8192x64xf32, #tpu.memory_space<vmem>>, vector<8192x64xf32>
    %get3A_2 = arith.constant 0 : index
    %get3A_3 = arith.constant 0 : index
    %get3A_4 = vector.load %arg2[%get3A_2, %get3A_3] : memref<64x64xf32, #tpu.memory_space<vmem>>, vector<64x64xf32>
    %dot_general3A = arith.constant dense<0.000000e+00> : vector<8192x64xf32>
    %dot_general3A_5 = tpu.matmul %get3A_1, %get3A_4, %dot_general3A {dimension_numbers = #tpu.dot_dimension_numbers<[1], [1], [0], [0], [0, 0, 1, 0], [], []>, transpose_lhs_hint = false} : vector<8192x64xf32>, vector<64x64xf32>, vector<8192x64xf32> -> vector<8192x64xf32>
    %swap3A = arith.constant 0 : index
    %swap3A_6 = arith.constant 0 : index
    %swap3A_7 = vector.load %arg3[%swap3A, %swap3A_6] : memref<8192x64xf32, #tpu.memory_space<vmem>>, vector<8192x64xf32>
    tpu.vector_store %arg3[%swap3A, %swap3A_6], %dot_general3A_5 {strides = array<i32>} : memref<8192x64xf32, #tpu.memory_space<vmem>>, vector<8192x64xf32>,
    return
  }
  func.func @transform_0(%arg0: i32) -> (i32, i32) {
    %c0_i32 = arith.constant 0 : i32
    %c0_i32_0 = arith.constant 0 : i32
    return %arg0, %c0_i32 : i32, i32
  }
  func.func @transform_1(%arg0: i32) -> (i32, i32) {
    %c0_i32 = arith.constant 0 : i32
    %c0_i32_0 = arith.constant 0 : i32
    %c0_i32_1 = arith.constant 0 : i32
    return %c0_i32, %c0_i32_0 : i32, i32
  }
  func.func @transform_2(%arg0: i32) -> (i32, i32) {
    %c0_i32 = arith.constant 0 : i32
    %c0_i32_0 = arith.constant 0 : i32
    return %arg0, %c0_i32 : i32, i32
  }
}

module attributes {stable_mosaic.version = 14 : i64} {
  func.func @_ln_body(%arg0: i32, %arg1: memref<16x128x64xf32, #tpu.memory_space<vmem>>, %arg2: memref<16x128xf32, #tpu.memory_space<vmem>>, %arg3: memref<16x128xi32, #tpu.memory_space<vmem>>, %arg4: memref<5x64xf32, #tpu.memory_space<vmem>>, %arg5: memref<1x64xf32, #tpu.memory_space<vmem>>, %arg6: memref<1x64xf32, #tpu.memory_space<vmem>>, %arg7: memref<1x64xf32, #tpu.memory_space<vmem>>, %arg8: memref<16x128x64xf32, #tpu.memory_space<vmem>>) attributes {dimension_semantics = [#tpu.dimension_semantics<arbitrary>], iteration_bounds = array<i64: 400>, scalar_prefetch = 0 : i64, scratch_operands = 0 : i64, tpu.core_type = #tpu.core_type<tc>, window_params = [{transform_indices = @transform_0, window_bounds = array<i64: 16, 128, 64>}, {transform_indices = @transform_1, window_bounds = array<i64: 16, 128>}, {transform_indices = @transform_2, window_bounds = array<i64: 16, 128>}, {pipeline_mode = #tpu.pipeline_mode<synchronous>, transform_indices = @transform_3, window_bounds = array<i64: 5, 64>}, {pipeline_mode = #tpu.pipeline_mode<synchronous>, transform_indices = @transform_4, window_bounds = array<i64: 1, 64>}, {pipeline_mode = #tpu.pipeline_mode<synchronous>, transform_indices = @transform_5, window_bounds = array<i64: 1, 64>}, {pipeline_mode = #tpu.pipeline_mode<synchronous>, transform_indices = @transform_6, window_bounds = array<i64: 1, 64>}, {transform_indices = @transform_7, window_bounds = array<i64: 16, 128, 64>}]} {
    %broadcast_in_dim3A = arith.constant 1.000000e+00 : f32
    %broadcast_in_dim3A_0 = vector.broadcast %broadcast_in_dim3A : f32 to vector<1x1x64xf32>
    %get3A = arith.constant 0 : index
    %get3A_1 = arith.constant 0 : index
    %get3A_2 = vector.load %arg2[%get3A, %get3A_1] : memref<16x128xf32, #tpu.memory_space<vmem>>, vector<16x128xf32>
    %broadcast_in_dim3A_3 = vector.shape_cast %get3A_2 : vector<16x128xf32> to vector<16x128x1xf32>
    %mul3A = vector.broadcast %broadcast_in_dim3A_3 : vector<16x128x1xf32> to vector<16x128x64xf32>
    %mul3A_4 = vector.broadcast %broadcast_in_dim3A_0 : vector<1x1x64xf32> to vector<16x128x64xf32>
    %mul3A_5 = arith.mulf %mul3A, %mul3A_4 : vector<16x128x64xf32>
    %get3A_6 = arith.constant 0 : index
    %get3A_7 = arith.constant 0 : index
    %get3A_8 = vector.load %arg3[%get3A_6, %get3A_7] : memref<16x128xi32, #tpu.memory_space<vmem>>, vector<16x128xi32>
    %convert_element_type3A = arith.sitofp %get3A_8 : vector<16x128xi32> to vector<16x128xf32>
    %broadcast_in_dim3A_9 = vector.shape_cast %convert_element_type3A : vector<16x128xf32> to vector<16x128x1xf32>
    %mul3A_10 = vector.broadcast %broadcast_in_dim3A_9 : vector<16x128x1xf32> to vector<16x128x64xf32>
    %mul3A_11 = vector.broadcast %broadcast_in_dim3A_0 : vector<1x1x64xf32> to vector<16x128x64xf32>
    %mul3A_12 = arith.mulf %mul3A_10, %mul3A_11 : vector<16x128x64xf32>
    %get3A_13 = arith.constant 0 : index
    %get3A_14 = arith.constant 0 : index
    %get3A_15 = arith.constant 0 : index
    %get3A_16 = vector.load %arg1[%get3A_13, %get3A_14, %get3A_15] : memref<16x128x64xf32, #tpu.memory_space<vmem>>, vector<16x128x64xf32>
    %get3A_17 = arith.constant 0 : index
    %get3A_18 = arith.constant 0 : index
    %get3A_19 = vector.load %arg5[%get3A_17, %get3A_18] : memref<1x64xf32, #tpu.memory_space<vmem>>, vector<1x64xf32>
    %broadcast_in_dim3A_20 = vector.shape_cast %get3A_19 : vector<1x64xf32> to vector<1x1x64xf32>
    %mul3A_21 = vector.broadcast %broadcast_in_dim3A_20 : vector<1x1x64xf32> to vector<16x128x64xf32>
    %mul3A_22 = arith.mulf %mul3A_5, %mul3A_21 : vector<16x128x64xf32>
    %add3A = arith.addf %get3A_16, %mul3A_22 : vector<16x128x64xf32>
    %eq3A = arith.constant 0.000000e+00 : f32
    %eq3A_23 = vector.broadcast %eq3A : f32 to vector<16x128x64xf32>
    %eq3A_24 = arith.cmpf oeq, %mul3A_12, %eq3A_23 : vector<16x128x64xf32>
    %get3A_25 = arith.constant 0 : index
    %get3A_26 = arith.constant 0 : index
    %get3A_27 = vector.load %arg4[%get3A_25, %get3A_26] : memref<5x64xf32, #tpu.memory_space<vmem>>, vector<1x64xf32>
    %get3A_28 = vector.shape_cast %get3A_27 : vector<1x64xf32> to vector<64xf32>
    %broadcast_in_dim3A_29 = vector.shape_cast %get3A_28 : vector<64xf32> to vector<1x1x64xf32>
    %jit3A = arith.constant 0.000000e+00 : f32
    %broadcast_in_dim3A_30 = vector.shape_cast %broadcast_in_dim3A_29 : vector<1x1x64xf32> to vector<1x1x64xf32>
    %broadcast_in_dim3A_31 = vector.broadcast %broadcast_in_dim3A_30 : vector<1x1x64xf32> to vector<16x128x64xf32>
    %broadcast_in_dim3A_32 = vector.broadcast %jit3A : f32 to vector<16x128x64xf32>
    %select_n3A = arith.select %eq3A_24, %broadcast_in_dim3A_31, %broadcast_in_dim3A_32 : vector<16x128x64xi1>, vector<16x128x64xf32>
    %add3A_33 = arith.addf %add3A, %select_n3A : vector<16x128x64xf32>
    %eq3A_34 = arith.constant 1.000000e+00 : f32
    %eq3A_35 = vector.broadcast %eq3A_34 : f32 to vector<16x128x64xf32>
    %eq3A_36 = arith.cmpf oeq, %mul3A_12, %eq3A_35 : vector<16x128x64xf32>
    %get3A_37 = arith.constant 1 : index
    %get3A_38 = arith.constant 0 : index
    %get3A_39 = vector.load %arg4[%get3A_37, %get3A_38] : memref<5x64xf32, #tpu.memory_space<vmem>>, vector<1x64xf32>
    %get3A_40 = vector.shape_cast %get3A_39 : vector<1x64xf32> to vector<64xf32>
    %broadcast_in_dim3A_41 = vector.shape_cast %get3A_40 : vector<64xf32> to vector<1x1x64xf32>
    %jit3A_42 = arith.constant 0.000000e+00 : f32
    %broadcast_in_dim3A_43 = vector.shape_cast %broadcast_in_dim3A_41 : vector<1x1x64xf32> to vector<1x1x64xf32>
    %broadcast_in_dim3A_44 = vector.broadcast %broadcast_in_dim3A_43 : vector<1x1x64xf32> to vector<16x128x64xf32>
    %broadcast_in_dim3A_45 = vector.broadcast %jit3A_42 : f32 to vector<16x128x64xf32>
    %select_n3A_46 = arith.select %eq3A_36, %broadcast_in_dim3A_44, %broadcast_in_dim3A_45 : vector<16x128x64xi1>, vector<16x128x64xf32>
    %add3A_47 = arith.addf %add3A_33, %select_n3A_46 : vector<16x128x64xf32>
    %eq3A_48 = arith.constant 2.000000e+00 : f32
    %eq3A_49 = vector.broadcast %eq3A_48 : f32 to vector<16x128x64xf32>
    %eq3A_50 = arith.cmpf oeq, %mul3A_12, %eq3A_49 : vector<16x128x64xf32>
    %get3A_51 = arith.constant 2 : index
    %get3A_52 = arith.constant 0 : index
    %get3A_53 = vector.load %arg4[%get3A_51, %get3A_52] : memref<5x64xf32, #tpu.memory_space<vmem>>, vector<1x64xf32>
    %get3A_54 = vector.shape_cast %get3A_53 : vector<1x64xf32> to vector<64xf32>
    %broadcast_in_dim3A_55 = vector.shape_cast %get3A_54 : vector<64xf32> to vector<1x1x64xf32>
    %jit3A_56 = arith.constant 0.000000e+00 : f32
    %broadcast_in_dim3A_57 = vector.shape_cast %broadcast_in_dim3A_55 : vector<1x1x64xf32> to vector<1x1x64xf32>
    %broadcast_in_dim3A_58 = vector.broadcast %broadcast_in_dim3A_57 : vector<1x1x64xf32> to vector<16x128x64xf32>
    %broadcast_in_dim3A_59 = vector.broadcast %jit3A_56 : f32 to vector<16x128x64xf32>
    %select_n3A_60 = arith.select %eq3A_50, %broadcast_in_dim3A_58, %broadcast_in_dim3A_59 : vector<16x128x64xi1>, vector<16x128x64xf32>
    %add3A_61 = arith.addf %add3A_47, %select_n3A_60 : vector<16x128x64xf32>
    %eq3A_62 = arith.constant 3.000000e+00 : f32
    %eq3A_63 = vector.broadcast %eq3A_62 : f32 to vector<16x128x64xf32>
    %eq3A_64 = arith.cmpf oeq, %mul3A_12, %eq3A_63 : vector<16x128x64xf32>
    %get3A_65 = arith.constant 3 : index
    %get3A_66 = arith.constant 0 : index
    %get3A_67 = vector.load %arg4[%get3A_65, %get3A_66] : memref<5x64xf32, #tpu.memory_space<vmem>>, vector<1x64xf32>
    %get3A_68 = vector.shape_cast %get3A_67 : vector<1x64xf32> to vector<64xf32>
    %broadcast_in_dim3A_69 = vector.shape_cast %get3A_68 : vector<64xf32> to vector<1x1x64xf32>
    %jit3A_70 = arith.constant 0.000000e+00 : f32
    %broadcast_in_dim3A_71 = vector.shape_cast %broadcast_in_dim3A_69 : vector<1x1x64xf32> to vector<1x1x64xf32>
    %broadcast_in_dim3A_72 = vector.broadcast %broadcast_in_dim3A_71 : vector<1x1x64xf32> to vector<16x128x64xf32>
    %broadcast_in_dim3A_73 = vector.broadcast %jit3A_70 : f32 to vector<16x128x64xf32>
    %select_n3A_74 = arith.select %eq3A_64, %broadcast_in_dim3A_72, %broadcast_in_dim3A_73 : vector<16x128x64xi1>, vector<16x128x64xf32>
    %add3A_75 = arith.addf %add3A_61, %select_n3A_74 : vector<16x128x64xf32>
    %eq3A_76 = arith.constant 4.000000e+00 : f32
    %eq3A_77 = vector.broadcast %eq3A_76 : f32 to vector<16x128x64xf32>
    %eq3A_78 = arith.cmpf oeq, %mul3A_12, %eq3A_77 : vector<16x128x64xf32>
    %get3A_79 = arith.constant 4 : index
    %get3A_80 = arith.constant 0 : index
    %get3A_81 = vector.load %arg4[%get3A_79, %get3A_80] : memref<5x64xf32, #tpu.memory_space<vmem>>, vector<1x64xf32>
    %get3A_82 = vector.shape_cast %get3A_81 : vector<1x64xf32> to vector<64xf32>
    %broadcast_in_dim3A_83 = vector.shape_cast %get3A_82 : vector<64xf32> to vector<1x1x64xf32>
    %jit3A_84 = arith.constant 0.000000e+00 : f32
    %broadcast_in_dim3A_85 = vector.shape_cast %broadcast_in_dim3A_83 : vector<1x1x64xf32> to vector<1x1x64xf32>
    %broadcast_in_dim3A_86 = vector.broadcast %broadcast_in_dim3A_85 : vector<1x1x64xf32> to vector<16x128x64xf32>
    %broadcast_in_dim3A_87 = vector.broadcast %jit3A_84 : f32 to vector<16x128x64xf32>
    %select_n3A_88 = arith.select %eq3A_78, %broadcast_in_dim3A_86, %broadcast_in_dim3A_87 : vector<16x128x64xi1>, vector<16x128x64xf32>
    %add3A_89 = arith.addf %add3A_75, %select_n3A_88 : vector<16x128x64xf32>
    %reduce_sum3A = arith.constant dense<0.000000e+00> : vector<16x128xf32>
    %reduce_sum3A_90 = vector.multi_reduction <add>, %add3A_89, %reduce_sum3A [2] : vector<16x128x64xf32> to vector<16x128xf32>
    %broadcast_in_dim3A_91 = vector.shape_cast %reduce_sum3A_90 : vector<16x128xf32> to vector<16x128x1xf32>
    %div3A = arith.constant 6.400000e+01 : f32
    %div3A_92 = vector.broadcast %div3A : f32 to vector<16x128x1xf32>
    %div3A_93 = arith.divf %broadcast_in_dim3A_91, %div3A_92 : vector<16x128x1xf32>
    %sub3A = vector.broadcast %div3A_93 : vector<16x128x1xf32> to vector<16x128x64xf32>
    %sub3A_94 = arith.subf %add3A_89, %sub3A : vector<16x128x64xf32>
    %mul3A_95 = arith.mulf %sub3A_94, %sub3A_94 : vector<16x128x64xf32>
    %reduce_sum3A_96 = arith.constant dense<0.000000e+00> : vector<16x128xf32>
    %reduce_sum3A_97 = vector.multi_reduction <add>, %mul3A_95, %reduce_sum3A_96 [2] : vector<16x128x64xf32> to vector<16x128xf32>
    %broadcast_in_dim3A_98 = vector.shape_cast %reduce_sum3A_97 : vector<16x128xf32> to vector<16x128x1xf32>
    %div3A_99 = arith.constant 6.400000e+01 : f32
    %div3A_100 = vector.broadcast %div3A_99 : f32 to vector<16x128x1xf32>
    %div3A_101 = arith.divf %broadcast_in_dim3A_98, %div3A_100 : vector<16x128x1xf32>
    %add3A_102 = arith.constant 9.99999974E-6 : f32
    %add3A_103 = vector.broadcast %add3A_102 : f32 to vector<16x128x1xf32>
    %add3A_104 = arith.addf %div3A_101, %add3A_103 : vector<16x128x1xf32>
    %rsqrt3A = math.rsqrt %add3A_104 : vector<16x128x1xf32>
    %mul3A_105 = vector.broadcast %rsqrt3A : vector<16x128x1xf32> to vector<16x128x64xf32>
    %mul3A_106 = arith.mulf %sub3A_94, %mul3A_105 : vector<16x128x64xf32>
    %get3A_107 = arith.constant 0 : index
    %get3A_108 = arith.constant 0 : index
    %get3A_109 = vector.load %arg6[%get3A_107, %get3A_108] : memref<1x64xf32, #tpu.memory_space<vmem>>, vector<1x64xf32>
    %broadcast_in_dim3A_110 = vector.shape_cast %get3A_109 : vector<1x64xf32> to vector<1x1x64xf32>
    %mul3A_111 = vector.broadcast %broadcast_in_dim3A_110 : vector<1x1x64xf32> to vector<16x128x64xf32>
    %mul3A_112 = arith.mulf %mul3A_106, %mul3A_111 : vector<16x128x64xf32>
    %get3A_113 = arith.constant 0 : index
    %get3A_114 = arith.constant 0 : index
    %get3A_115 = vector.load %arg7[%get3A_113, %get3A_114] : memref<1x64xf32, #tpu.memory_space<vmem>>, vector<1x64xf32>
    %broadcast_in_dim3A_116 = vector.shape_cast %get3A_115 : vector<1x64xf32> to vector<1x1x64xf32>
    %add3A_117 = vector.broadcast %broadcast_in_dim3A_116 : vector<1x1x64xf32> to vector<16x128x64xf32>
    %add3A_118 = arith.addf %mul3A_112, %add3A_117 : vector<16x128x64xf32>
    %swap3A = arith.constant 0 : index
    %swap3A_119 = arith.constant 0 : index
    %swap3A_120 = arith.constant 0 : index
    %swap3A_121 = vector.load %arg8[%swap3A, %swap3A_119, %swap3A_120] : memref<16x128x64xf32, #tpu.memory_space<vmem>>, vector<16x128x64xf32>
    tpu.vector_store %arg8[%swap3A, %swap3A_119, %swap3A_120], %add3A_118 {strides = array<i32>} : memref<16x128x64xf32, #tpu.memory_space<vmem>>, vector<16x128x64xf32>,
    return
  }
  func.func @transform_0(%arg0: i32) -> (i32, i32, i32) {
    %c0_i32 = arith.constant 0 : i32
    %c0_i32_0 = arith.constant 0 : i32
    %c0_i32_1 = arith.constant 0 : i32
    return %arg0, %c0_i32, %c0_i32_0 : i32, i32, i32
  }
  func.func @transform_1(%arg0: i32) -> (i32, i32) {
    %c0_i32 = arith.constant 0 : i32
    %c0_i32_0 = arith.constant 0 : i32
    return %arg0, %c0_i32 : i32, i32
  }
  func.func @transform_2(%arg0: i32) -> (i32, i32) {
    %c0_i32 = arith.constant 0 : i32
    %c0_i32_0 = arith.constant 0 : i32
    return %arg0, %c0_i32 : i32, i32
  }
  func.func @transform_3(%arg0: i32) -> (i32, i32) {
    %c0_i32 = arith.constant 0 : i32
    %c0_i32_0 = arith.constant 0 : i32
    %c0_i32_1 = arith.constant 0 : i32
    return %c0_i32, %c0_i32_0 : i32, i32
  }
  func.func @transform_4(%arg0: i32) -> (i32, i32) {
    %c0_i32 = arith.constant 0 : i32
    %c0_i32_0 = arith.constant 0 : i32
    %c0_i32_1 = arith.constant 0 : i32
    return %c0_i32, %c0_i32_0 : i32, i32
  }
  func.func @transform_5(%arg0: i32) -> (i32, i32) {
    %c0_i32 = arith.constant 0 : i32
    %c0_i32_0 = arith.constant 0 : i32
    %c0_i32_1 = arith.constant 0 : i32
    return %c0_i32, %c0_i32_0 : i32, i32
  }
  func.func @transform_6(%arg0: i32) -> (i32, i32) {
    %c0_i32 = arith.constant 0 : i32
    %c0_i32_0 = arith.constant 0 : i32
    %c0_i32_1 = arith.constant 0 : i32
    return %c0_i32, %c0_i32_0 : i32, i32
  }
  func.func @transform_7(%arg0: i32) -> (i32, i32, i32) {
    %c0_i32 = arith.constant 0 : i32
    %c0_i32_0 = arith.constant 0 : i32
    %c0_i32_1 = arith.constant 0 : i32
    return %arg0, %c0_i32, %c0_i32_0 : i32, i32, i32
  }
}

</mosaic_0001>

<sc_bundles>
// kernel: kernel.8.cloned.1.call-start
scs
__scs_entry_jumppad:
0x0: {  	(pc) =	sbr.rel $0x88, $3  }
0x1: {  	(tag) =	ssettag $0x0;
	lr =	simm.s32 $0x1  }
0x2: {  	[smem:$0x3F90] =	sst lr;
	_ =	strace $0xD0000000  }
0x3: {  	_ = 	snop  }
0x4: {  	_ = 	snop  }
0x5: {  	_ = 	snop  }
0x6: {  	_ = 	snop  }
0x7: {  	_ = 	snop  }
__scs_overlays_trampoline_lowered:
0x8: {  	[smem:$0x3F9F] =	sst s0  }
0x9: {  	[smem:$0x3FA0] =	sst s1  }
0xa: {  	[smem:$0x3FA1] =	sst s2  }
0xb: {  	[smem:$0x3FA2] =	sst s3  }
0xc: {  	[smem:$0x3FA3] =	sst s4  }
0xd: {  	[smem:$0x3FA4] =	sst s5  }
0xe: {  	[smem:$0x3FA5] =	sst s6  }
0xf: {  	[smem:$0x3FA6] =	sst s7  }
0x10: {  	[smem:$0x3FA7] =	sst s8  }
0x11: {  	[smem:$0x3FA8] =	sst s9;
	s0 =	simm.s32 @!p0 $0x0  }
0x12: {  	s1 =	sld [smem:$0x3F8E];
	s0 =	simm.s32 @p0 $0x1  }
0x13: {  	[smem:$0x3FA9] =	sst s0;
	s0 =	simm.s32 @!p1 $0x0  }
0x14: {  	s2 =	sld [smem:$0x3F8D];
	s0 =	simm.s32 @p1 $0x1  }
0x15: {  	[smem:$0x3FAA] =	sst s0;
	s0 =	simm.s32 @!p2 $0x0  }
0x16: {  	s3 =	sld [smem:$0x3FDB];
	s0 =	simm.s32 @p2 $0x1  }
0x17: {  	s4 =	simm.s32 $0x1BF5;
	[smem:$0x3FAC] =	sst s0  }
0x18: {  	s0 =	sld [smem:$0x3F8F];
	_ =	swait.ge [sflag:s4], $0x0  }
0x19: {  	s7 =	sld [smem:$0x3F90]  }
0x1a: {  	s8 =	sadd.s32 $0xFFFFE003, lr  }
0x1b: {  	s9 =	sadd.s32 $0xFFFFFEF7, lr;
	s5 =	simm.s32 $0xFFFFFFFF;
	p2 =	slt.u32 s8, $0xFFFFF086  }
0x1c: {  	p1 =	slt.u32 s9, $0xF7A;
	s5 =	simm.s32 @!p2 $0x0  }
0x1d: {  	s5 =	simm.s32 @p1 $0x1;
	p0 =	seq.s32 s7, s2  }
0x1e: {  	s7 =	smul.u32 @!p0 $0xF7A, s2;
	p2 =	seq.s32 @!p0 s5, $0x0  }
0x1f: {  	s9 =	smul.u32 $0xF7A, s1;
	s8 =	simm.s32 @!p0 $0x1BF5;
	p2 =	por !p2, p0  }
0x20: {  	[sflag:s8] =	ssyncset.s32 @!p0 $0xFFFFF086;
	s6 =	sadd.s32 @!p0 s3, s7;
	s7 =	simm.s32 @!p0 $0x108  }
0x21: {  	s3 =	sadd.s32 s3, s9;
	s6 =	sadd.s32 @!p0 $0x88, s6;
	s7 =	simm.s32 @p2 $0x1082  }
0x22: {  	[simem:s7], [sflag:s8] =	dma.local @!p0 [hbm:s6], $0xF7A  }
0x23: {  	s9 =	sor.u32 $0xD0000000, s2;
	s6 =	simm.s32 $0x108;
	_ =	swait.ge @!p0 [sflag:s8], $0x0  }
0x24: {  	s3 =	sadd.s32 $0x88, s3;
	s6 =	simm.s32 @!p1 $0x1082;
	[sflag:s4] =	ssyncset.s32 $0xFFFFF086  }
0x25: {  	[simem:s6], [sflag:s4] =	dma.local [hbm:s3], $0xF7A  }
0x26: {  	[smem:$0x3F90] =	sst s1;
	(tag) =	ssettag s2;
	_ =	strace s9  }
0x27: {  	s1 =	sld [smem:$0x3FA0]  }
0x28: {  	s2 =	sld [smem:$0x3FA1]  }
0x29: {  	s4 =	sld [smem:$0x3FA3]  }
0x2a: {  	p0 =	seq.s32 s5, $0x0;
	s5 =	sld [smem:$0x3FA4]  }
0x2b: {  	s6 =	sld [smem:$0x3FA5]  }
0x2c: {  	s7 =	sld [smem:$0x3FA6]  }
0x2d: {  	s3 =	simm.s32 $0x108;
	s8 =	sld [smem:$0x3FA7]  }
0x2e: {  	s3 =	simm.s32 @!p0 $0x1082;
	s9 =	sld [smem:$0x3FA8]  }
0x2f: {  	lr =	sadd.s32 s0, s3;
	s0 =	sld [smem:$0x3F9F]  }
0x30: {  	s3 =	sld [smem:$0x3FA2]  }
0x31: {  	[smem:$0x3FAB] =	sst s10  }
0x32: {  	s10 =	sld [smem:$0x3FA9];
	_ =	sdelay $0x3  }
0x33: {  	p0 =	seq.s32 s10, $0x1;
	s10 =	sld [smem:$0x3FAB];
	_ =	sdelay $0x3  }
0x34: {  	[smem:$0x3FAB] =	sst s10  }
0x35: {  	s10 =	sld [smem:$0x3FAA];
	_ =	sdelay $0x3  }
0x36: {  	p1 =	seq.s32 s10, $0x1;
	s10 =	sld [smem:$0x3FAB];
	_ =	sdelay $0x3  }
0x37: {  	[smem:$0x3FAB] =	sst s10  }
0x38: {  	s10 =	sld [smem:$0x3FAC]  }
0x39: {  	_ = 	snop;
	(pc) =	sbr.ind lr, $3  }
0x3a: {  	_ = 	snop  }
0x3b: {  	_ = 	snop  }
0x3c: {  	p2 =	seq.s32 s10, $0x1;
	s10 =	sld [smem:$0x3FAB]  }
0x3d: {  	_ =	shalt  }
0x3e: {  	_ =	shalt  }
0x3f: {  	_ =	shalt  }
0x40: {  	_ =	shalt  }
0x41: {  	_ =	shalt  }
0x42: {  	_ =	shalt  }
0x43: {  	_ =	shalt  }
0x44: {  	_ =	shalt  }
0x45: {  	_ =	shalt  }
0x46: {  	_ =	shalt  }
0x47: {  	_ =	shalt  }
0x48: {  	_ =	shalt  }
0x49: {  	_ =	shalt  }
0x4a: {  	_ =	shalt  }
0x4b: {  	_ =	shalt  }
0x4c: {  	_ =	shalt  }
0x4d: {  	_ =	shalt  }
0x4e: {  	_ =	shalt  }
0x4f: {  	_ =	shalt  }
0x50: {  	_ =	shalt  }
0x51: {  	_ =	shalt  }
0x52: {  	_ =	shalt  }
0x53: {  	_ =	shalt  }
0x54: {  	_ =	shalt  }
0x55: {  	_ =	shalt  }
0x56: {  	_ =	shalt  }
0x57: {  	_ =	shalt  }
0x58: {  	_ =	shalt  }
0x59: {  	_ =	shalt  }
0x5a: {  	_ =	shalt  }
0x5b: {  	_ =	shalt  }
0x5c: {  	_ =	shalt  }
0x5d: {  	_ =	shalt  }
0x5e: {  	_ =	shalt  }
0x5f: {  	_ =	shalt  }
0x60: {  	_ =	shalt  }
0x61: {  	_ =	shalt  }
0x62: {  	_ =	shalt  }
0x63: {  	_ =	shalt  }
0x64: {  	_ =	shalt  }
0x65: {  	_ =	shalt  }
0x66: {  	_ =	shalt  }
0x67: {  	_ =	shalt  }
0x68: {  	_ =	shalt  }
0x69: {  	_ =	shalt  }
0x6a: {  	_ =	shalt  }
0x6b: {  	_ =	shalt  }
0x6c: {  	_ =	shalt  }
0x6d: {  	_ =	shalt  }
0x6e: {  	_ =	shalt  }
0x6f: {  	_ =	shalt  }
0x70: {  	_ =	shalt  }
0x71: {  	_ =	shalt  }
0x72: {  	_ =	shalt  }
0x73: {  	_ =	shalt  }
0x74: {  	_ =	shalt  }
0x75: {  	_ =	shalt  }
0x76: {  	_ =	shalt  }
0x77: {  	_ =	shalt  }
0x78: {  	_ =	shalt  }
0x79: {  	_ =	shalt  }
0x7a: {  	_ =	shalt  }
0x7b: {  	_ =	shalt  }
0x7c: {  	_ =	shalt  }
0x7d: {  	_ =	shalt  }
0x7e: {  	_ =	shalt  }
0x7f: {  	_ =	shalt  }
0x80: {  	_ =	shalt  }
0x81: {  	_ =	shalt  }
0x82: {  	_ =	shalt  }
0x83: {  	_ =	shalt  }
0x84: {  	_ =	shalt  }
0x85: {  	_ =	shalt  }
0x86: {  	_ =	shalt  }
0x87: {  	_ =	shalt  }
.Lfunc_end0:
.L_simem_size_0:
called_computation.1_lowered:
.L_overlay_start_0:
0x88: {  	s2 =	sld [smem:$0x3FD9]  }
0x89: {  	s3 =	sld [smem:$0x3FFE];
	_ =	sdelay $0x1  }
0x8a: {  	s1 =	srdreg.scid  }
0x8b: {  	s0 =	sand.u32 $0x1, s1  }
0x8c: {  	s17 =	sshll.u32 s0, $0xA;
	s2 =	sadd.s32 s3, s2  }
0x8d: {  	s2 =	sadd.s32 s2, s17  }
0x8e: {  	[smem:$0x3FB7] =	sst s2  }
0x8f: {  	_ = 	snop  }
0x90: {  	s2 =	sld [smem:$0x3FD0];
	(tm) =	ssettm $0x1  }
0x91: {  	s18 =	sld [smem:$0x3FFB];
	_ =	sdelay $0x3  }
0x92: {  	_ =	strace s18  }
0x93: {  	s3 =	sld [smem:$0x3FFC];
	_ =	sdelay $0x3  }
0x94: {  	_ =	strace s3  }
0x95: {  	s3 =	sld [smem:$0x3FFD];
	_ =	sdelay $0x3  }
0x96: {  	_ =	strace s3  }
0x97: {  	_ =	strace $0x8FFFFFFF  }
0x98: {  	s19 =	sld [smem:$0x3FDB];
	_ =	sdelay $0x1  }
0x99: {  	s4 =	simm.s32 $_scs_section_size  }
0x9a: {  	s5 =	simm.s32 $_size__tile_overlayer_lowered;
	s6 =	simm.s32 $_tile_overlayer_lowered  }
0x9b: {  	s22 =	simm.s32 $0x1BFF;
	s21 =	sshll.u32 s6, $0x1;
	s3 =	sadd.s32 s4, s19  }
0x9c: {  	s7 =	simm.s32 $0x0;
	s20 =	sshll.u32 s5, $0x1;
	s5 =	sadd.s32 s21, s3  }
0x9d: {  	[timem:s7], [sflag:s22] =	dma.local [hbm:s5], s20  }
0x9e: {  	_ =	swait.ge [sflag:s22], s20  }
0x9f: {  	s4 =	ssub.s32 $0x0, s20;
	[sflag:s22] =	ssyncset.done $0x0  }
0xa0: {  	[sflag:s22] =	ssyncadd.s32 s4;
	_ =	sdelay $0x1  }
0xa1: {  	s23 =	simm.s32 $0x1B8B  }
0xa2: {  	_ =	swait.ge [sflag:s23], $0x1  }
0xa3: {  	[sflag:s23] =	ssyncset.done $0x0  }
0xa4: {  	s25 =	simm.s32 $0x1B8E;
	s24 =	sld [smem:$0x3FFE];
	[sflag:s23] =	ssyncadd.s32 $0xFFFFFFFF  }
0xa5: {  	s26 =	simm.s32 $execute0_lowered;
	[smem:$0x3FD2] =	sst s25  }
0xa6: {  	s5 =	sshll.u32 s26, $0x1;
	_ =	strace $0x80000046;
	[dreg:$0x1] =	wrdreg $0xFFFFFFFF  }
0xa7: {  	s28 =	simm.s32 $_size_execute0_lowered;
	s3 =	sadd.s32 s3, s5;
	[dreg:$0x0] =	wrdreg $0x0  }
0xa8: {  	s5 =	sshll.u32 s28, $0x1;
	[dreg:$0x2] =	wrdreg s3  }
0xa9: {  	[dreg:$0x3] =	wrdreg s5  }
0xaa: {  	[dreg:$0x4] =	wrdreg $0xC0  }
0xab: {  	_ =	task [dreg:s7], $0x5FFFF  }
0xac: {  	[dreg:$0x1] =	wrdreg $0xFFFFFFFF  }
0xad: {  	[dreg:$0x0] =	wrdreg $0x60  }
0xae: {  	[dreg:$0x2] =	wrdreg s24  }
0xaf: {  	[dreg:$0x3] =	wrdreg s2  }
0xb0: {  	[dreg:$0x4] =	wrdreg $0x9  }
0xb1: {  	_ =	task.clear_ibuf [dreg:s7], $0x5FFFF;
	_ =	strace $0x90000046  }
0xb2: {  	s29 =	simm.s32 $0x9;
	_ =	strace $0x80000048  }
0xb3: {  	_ =	swait.ge [sflag:s29], $0x1  }
0xb4: {  	[sflag:s29] =	ssyncadd.s32 $0xFFFFFFFF  }
0xb5: {  	_ =	strace $0x90000048  }
0xb6: {  	_ =	sfence  }
0xb7: {  	s30 =	sld [smem:$0x0];
	_ =	sdelay $0x2  }
0xb8: {  	s31 =	sshll.u32 s1, $0xD;
	s1 =	sshrl.u32 s1, $0x2  }
0xb9: {  	s3 =	sand.u32 $0x4000, s31;
	s1 =	sadd.s32 s1, s30  }
0xba: {  	s0 =	sor.u32 s3, s0;
	s1 =	sshll.u32 s1, $0x11  }
0xbb: {  	s0 =	sor.u32 s1, s0  }
0xbc: {  	s0 =	sadd.s32 $0x8F2B, s0  }
0xbd: {  	[sflag:s0] =	ssyncadd.remote.s32 $0x1  }
0xbe: {  	_ =	sfence.sel $0xFFFF  }
0xbf: {  	[dreg:$0x0] =	wrdreg $0xFFFFFFFF;
	(pc) =	sbr.abs _section_cstart, $3  }
0xc0: {  	[dreg:$0x1] =	wrdreg $0xFFFFFFFF  }
0xc1: {  	_ =	task.clear_ibuf [dreg:s7], $0x2FFFF;
	_ =	strace $0x9FFFFFFF  }
0xc2: {  	(tm) =	ssettm $0x7FFFFFFF  }
0xc3: {  	_ =	shalt  }
tec
execute0_lowered:
.L_overlay_start_1:
0x0: {  	(tag) =	ssettag $0x1  }
0x1: {  	s0 =	rddreg [dreg:$0x0]  }
0x2: {  	s1 =	rddreg [dreg:$0x1]  }
0x3: {  	s2 =	simm.s32 $0x0;
	s3 =	srdreg.scid;
	s8 =	stileid.u32  }
0x4: {  	s12 =	simm.s32 $0x80;
	s13 =	simm.s32 $0x5000;
	s17 =	simm.s32 $0x7000  }
0x5: {  	s22 =	simm.s32 $0x9000;
	s28 =	simm.s32 $0xB000;
	s29 =	simm.s32 $0x2  }
0x6: {  	s30 =	simm.s32 $0x3;
	s31 =	simm.s32 $0x4;
	s14 =	simm.s32 $0x8  }
0x7: {  	s15 =	simm.s32 $0x0;
	[smem:$0x7FF] =	sst s2;
	s4 =	sadd.s32 $0x1F6800, s0  }
0x8: {  	s5 =	sadd.s32 $0x2B9E00, s0;
	s3 =	sand.u32 $0x1, s3;
	s6 =	sadd.s32 $0x37D400, s0  }
0x9: {  	s7 =	sadd.s32 $0x9C00, s0;
	s11 =	sshll.u32 s8, $0x1;
	s0 =	sadd.s32 $0xBC00, s0  }
.Ltmp0:
0xa: {  	_ =	strace $0x80000047;
	s9 =	ssub.s32 $0x2, s3;
	(pc) =	sbr.rel .LBB2_1-.Ltmp0, $4  }
0xb: {  	[dreg:$0x3] =	wrdreg s0;
	s3 =	sor.u32 s3, s11;
	s10 =	sshrl.u32 s9, $0x1  }
0xc: {  	s11 =	simm.s32 $0x9;
	s26 =	ssub.s32 s9, s10;
	s9 =	smul.u32 $0xC8, s3  }
0xd: {  	s3 =	simm.s32 $0x6;
	s10 =	simm.s32 $0x7;
	s0 =	smax.u32 s26, $0x1  }
0xe: {  	v0 =	vimm.f32 $0.0e+00;
	s26 =	simm.s32 $0x1;
	[dreg:$0x4] =	wrdreg s0;
	s0 =	simm.s32 $0x5  }
.LBB2_24:
0xf: {  	s15 =	rddreg [dreg:$0x5]  }
0x10: {  	s8 =	rddreg [dreg:$0x4];
	s15 =	sadd.s32 $0x1, s15  }
0x11: {  	p0 =	sne.s32 s15, s8  }
.Ltmp1:
0x12: {  	_ = 	snop;
	(pc) =	sbr.rel @!p0 .LBB2_25-.Ltmp1, $1  }
0x13: {  	_ =	sdelay $0x3  }
.LBB2_1:
.Ltmp2:
0x14: {  	(pc) =	sbr.rel .LBB2_2-.Ltmp2, $2  }
0x15: {  	_ =	sdelay $0x2  }
0x16: {  	[dreg:$0x5] =	wrdreg s15;
	s15 =	simm.s32 $0x0  }
.LBB2_23:
0x17: {  	_ =	swait.ge [sflag:s0], $0x2000  }
0x18: {  	[sflag:s0] =	ssyncset.done $0x0  }
0x19: {  	[sflag:s0] =	ssyncadd.s32 $0xFFFFE000  }
0x1a: {  	_ =	swait.ge [sflag:s3], $0x2000  }
0x1b: {  	[sflag:s3] =	ssyncset.done $0x0  }
0x1c: {  	s15 =	sadd.s32 $0x1, s15;
	[sflag:s3] =	ssyncadd.s32 $0xFFFFE000  }
0x1d: {  	p0 =	sne.s32 s15, $0x5;
	_ =	swait.ge [sflag:s10], $0x2000  }
.Ltmp3:
0x1e: {  	[sflag:s10] =	ssyncset.done $0x0;
	(pc) =	sbr.rel @!p0 .LBB2_24-.Ltmp3, $4  }
0x1f: {  	[sflag:s10] =	ssyncadd.s32 $0xFFFFE000  }
0x20: {  	_ =	swait.ge [sflag:s14], $0x2000  }
0x21: {  	[sflag:s14] =	ssyncset.done $0x0  }
0x22: {  	[sflag:s14] =	ssyncadd.s32 $0xFFFFE000  }
.LBB2_2:
0x23: {  	s16 =	smul.u32 $0x28, s15;
	_ =	sdelay $0x1  }
0x24: {  	s16 =	sadd.s32 s9, s16  }
0x25: {  	s8 =	rddreg [dreg:$0x3];
	s18 =	sshll.u32 s16, $0x6  }
0x26: {  	s19 =	simm.s32 $0x0;
	s18 =	sadd.s32 s8, s18  }
0x27: {  	[tilespmem:s19], [sflag:$0x9] =	stream.linear.gather [hbm4b:s18+s19], $0x5000, $0x38;
	[tilespmem:$0xD000] =	vst v63  }
0x28: {  	_ =	swait.ge [sflag:s11], $0x5000  }
0x29: {  	[sflag:s11] =	ssyncset.done $0x0  }
0x2a: {  	s19 =	simm.s32 $0x100;
	s18 =	simm.s32 $0x0;
	[sflag:s11] =	ssyncadd.s32 $0xFFFFB000  }
.LBB2_3:
0x2b: {  	p0 =	sne.s32 s19, $0x7F00;
	[tilespmem:s18+$0x5030] =	vst v0;
	s20 =	smov.u32 s19;
	s19 =	sadd.s32 $0x100, s19  }
.Ltmp4:
0x2c: {  	[tilespmem:s18+$0x5020] =	vst v0;
	(pc) =	sbr.rel @p0 .LBB2_3-.Ltmp4, $3  }
0x2d: {  	[tilespmem:s18+$0x5000] =	vst v0  }
0x2e: {  	[tilespmem:s18+$0x5010] =	vst v0;
	_ =	sdelay $0x1  }
0x2f: {  	s18 =	sshra.s32 s20, $0x2  }
0x30: {  	[tilespmem:s18+$0x5030] =	vst v0  }
0x31: {  	[tilespmem:s18+$0x5020] =	vst v0  }
0x32: {  	[tilespmem:s18+$0x5000] =	vst v0  }
0x33: {  	[tilespmem:s18+$0x5010] =	vst v0;
	s24 =	simm.s32 $0x0  }
0x34: {  	[tilespmem:s13], [sflag:$0x1] =	stream.indirect.gather.add.f32 [hbm:s4], $0x40, s24, s12, $0xb8;
	[tilespmem:$0xD000] =	vst v63  }
0x35: {  	_ = 	snop  }
0x36: {  	[tilespmem:s13], [sflag:$0x1] =	stream.indirect.gather.add.f32 [hbm:s5], $0x40, s12, s12, $0xb8;
	[tilespmem:$0xD000] =	vst v63  }
0x37: {  	s8 =	simm.s32 $0x100  }
0x38: {  	[tilespmem:s13], [sflag:$0x1] =	stream.indirect.gather.add.f32 [hbm:s6], $0x40, s8, s12, $0xb8;
	[tilespmem:$0xD000] =	vst v63  }
0x39: {  	s25 =	simm.s32 $0x180;
	s19 =	simm.s32 $0x100;
	s18 =	simm.s32 $0x0  }
0x3a: {  	[tilespmem:s13], [sflag:$0x1] =	stream.indirect.gather.add.f32 [hbm:s7], $0x40, s25, s12, $0xb8;
	[tilespmem:$0xD000] =	vst v63  }
.LBB2_5:
0x3b: {  	p0 =	sne.s32 s19, $0x7F00;
	[tilespmem:s18+$0x7030] =	vst v0;
	s20 =	smov.u32 s19;
	s19 =	sadd.s32 $0x100, s19  }
.Ltmp5:
0x3c: {  	[tilespmem:s18+$0x7020] =	vst v0;
	(pc) =	sbr.rel @p0 .LBB2_5-.Ltmp5, $3  }
0x3d: {  	[tilespmem:s18+$0x7000] =	vst v0  }
0x3e: {  	[tilespmem:s18+$0x7010] =	vst v0;
	_ =	sdelay $0x1  }
0x3f: {  	s18 =	sshra.s32 s20, $0x2  }
0x40: {  	[tilespmem:s18+$0x7030] =	vst v0  }
0x41: {  	[tilespmem:s18+$0x7020] =	vst v0  }
0x42: {  	[tilespmem:s18+$0x7000] =	vst v0  }
0x43: {  	[tilespmem:s18+$0x7010] =	vst v0;
	s8 =	simm.s32 $0x200  }
0x44: {  	[tilespmem:s17], [sflag:$0x2] =	stream.indirect.gather.add.f32 [hbm:s4], $0x40, s8, s12, $0xb8;
	[tilespmem:$0xD000] =	vst v63  }
0x45: {  	s23 =	simm.s32 $0x280  }
0x46: {  	[tilespmem:s17], [sflag:$0x2] =	stream.indirect.gather.add.f32 [hbm:s5], $0x40, s23, s12, $0xb8;
	[tilespmem:$0xD000] =	vst v63  }
0x47: {  	s24 =	simm.s32 $0x300  }
0x48: {  	[tilespmem:s17], [sflag:$0x2] =	stream.indirect.gather.add.f32 [hbm:s6], $0x40, s24, s12, $0xb8;
	[tilespmem:$0xD000] =	vst v63  }
0x49: {  	s25 =	simm.s32 $0x380;
	s19 =	simm.s32 $0x100;
	s18 =	simm.s32 $0x0  }
0x4a: {  	[tilespmem:s17], [sflag:$0x2] =	stream.indirect.gather.add.f32 [hbm:s7], $0x40, s25, s12, $0xb8;
	[tilespmem:$0xD000] =	vst v63  }
.LBB2_7:
0x4b: {  	p0 =	sne.s32 s19, $0x7F00;
	[tilespmem:s18+$0x9030] =	vst v0;
	s20 =	smov.u32 s19;
	s19 =	sadd.s32 $0x100, s19  }
.Ltmp6:
0x4c: {  	[tilespmem:s18+$0x9020] =	vst v0;
	(pc) =	sbr.rel @p0 .LBB2_7-.Ltmp6, $3  }
0x4d: {  	[tilespmem:s18+$0x9000] =	vst v0  }
0x4e: {  	[tilespmem:s18+$0x9010] =	vst v0;
	_ =	sdelay $0x1  }
0x4f: {  	s18 =	sshra.s32 s20, $0x2  }
0x50: {  	[tilespmem:s18+$0x9030] =	vst v0  }
0x51: {  	[tilespmem:s18+$0x9020] =	vst v0  }
0x52: {  	[tilespmem:s18+$0x9000] =	vst v0  }
0x53: {  	[tilespmem:s18+$0x9010] =	vst v0;
	s8 =	simm.s32 $0x400  }
0x54: {  	[tilespmem:s22], [sflag:$0x3] =	stream.indirect.gather.add.f32 [hbm:s4], $0x40, s8, s12, $0xb8;
	[tilespmem:$0xD000] =	vst v63  }
0x55: {  	s23 =	simm.s32 $0x480  }
0x56: {  	[tilespmem:s22], [sflag:$0x3] =	stream.indirect.gather.add.f32 [hbm:s5], $0x40, s23, s12, $0xb8;
	[tilespmem:$0xD000] =	vst v63  }
0x57: {  	s24 =	simm.s32 $0x500;
	s25 =	simm.s32 $0x580  }
0x58: {  	[tilespmem:s22], [sflag:$0x3] =	stream.indirect.gather.add.f32 [hbm:s6], $0x40, s24, s12, $0xb8;
	[tilespmem:$0xD000] =	vst v63  }
0x59: {  	s18 =	sor.u32 $0x1, s16;
	s19 =	sor.u32 $0x2, s16;
	s20 =	simm.s32 $0x0  }
0x5a: {  	[tilespmem:s22], [sflag:$0x3] =	stream.indirect.gather.add.f32 [hbm:s7], $0x40, s25, s12, $0xb8;
	[tilespmem:$0xD000] =	vst v63  }
.LBB2_9:
0x5b: {  	_ =	swait.ge [sflag:s26], $0x2000  }
0x5c: {  	[sflag:s26] =	ssyncset.done $0x0  }
0x5d: {  	[sflag:s26] =	ssyncadd.s32 $0xFFFFE000  }
0x5e: {  	_ =	swait.ge [sflag:s26], $0x2000  }
0x5f: {  	[sflag:s26] =	ssyncset.done $0x0  }
0x60: {  	[sflag:s26] =	ssyncadd.s32 $0xFFFFE000  }
0x61: {  	_ =	swait.ge [sflag:s26], $0x2000  }
0x62: {  	[sflag:s26] =	ssyncset.done $0x0  }
0x63: {  	s23 =	sshll.u32 s20, $0x2;
	[sflag:s26] =	ssyncadd.s32 $0xFFFFE000  }
0x64: {  	s21 =	sadd.s32 s16, s23;
	_ =	swait.ge [sflag:s26], $0x2000  }
0x65: {  	p0 =	seq.s32 s20, $0x0;
	s21 =	sshll.u32 s21, $0xA;
	[sflag:s26] =	ssyncset.done $0x0  }
0x66: {  	s24 =	simm.s32 @!p0 $0x8;
	s21 =	sadd.s32 s1, s21;
	[sflag:s26] =	ssyncadd.s32 $0xFFFFE000  }
0x67: {  	[hbm4b:s21+s2] =	stream.linear.scatter [tilespmem:s13], [sflag:$0x5], $0x2000, $0x38;
	[tilespmem:$0xD000] =	vst v63  }
0x68: {  	_ =	swait.ge @!p0 [sflag:s24], $0x2000  }
0x69: {  	s25 =	simm.s32 $0x100;
	[sflag:s24] =	ssyncset.done @!p0 $0x0  }
0x6a: {  	s21 =	sshllo.u32 s20, $0x2;
	[sflag:s24] =	ssyncadd.s32 @!p0 $0xFFFFE000;
	s24 =	simm.s32 $0x0  }
.LBB2_10:
0x6b: {  	p0 =	sne.s32 s25, $0x7F00;
	[tilespmem:s24+$0xB030] =	vst v0;
	s8 =	smov.u32 s25;
	s25 =	sadd.s32 $0x100, s25  }
.Ltmp7:
0x6c: {  	[tilespmem:s24+$0xB020] =	vst v0;
	(pc) =	sbr.rel @p0 .LBB2_10-.Ltmp7, $3  }
0x6d: {  	[tilespmem:s24+$0xB000] =	vst v0  }
0x6e: {  	[tilespmem:s24+$0xB010] =	vst v0;
	_ =	sdelay $0x1  }
0x6f: {  	s24 =	sshra.s32 s8, $0x2  }
0x70: {  	[tilespmem:s24+$0xB030] =	vst v0  }
0x71: {  	[tilespmem:s24+$0xB020] =	vst v0  }
0x72: {  	[tilespmem:s24+$0xB000] =	vst v0;
	s8 =	sshll.u32 s21, $0x9  }
0x73: {  	[tilespmem:s24+$0xB010] =	vst v0;
	s8 =	sand.u32 $0x3FFFFE00, s8  }
0x74: {  	[tilespmem:s28], [sflag:$0x4] =	stream.indirect.gather.add.f32 [hbm:s4], $0x40, s8, s12, $0xb8;
	[tilespmem:$0xD000] =	vst v63  }
0x75: {  	s25 =	sor.u32 $0x80, s8  }
0x76: {  	[tilespmem:s28], [sflag:$0x4] =	stream.indirect.gather.add.f32 [hbm:s5], $0x40, s25, s12, $0xb8;
	[tilespmem:$0xD000] =	vst v63  }
0x77: {  	s25 =	sor.u32 $0x100, s8  }
0x78: {  	[tilespmem:s28], [sflag:$0x4] =	stream.indirect.gather.add.f32 [hbm:s6], $0x40, s25, s12, $0xb8;
	[tilespmem:$0xD000] =	vst v63  }
0x79: {  	s8 =	sor.u32 $0x180, s8  }
0x7a: {  	[tilespmem:s28], [sflag:$0x4] =	stream.indirect.gather.add.f32 [hbm:s7], $0x40, s8, s12, $0xb8;
	[tilespmem:$0xD000] =	vst v63  }
0x7b: {  	_ =	swait.ge [sflag:s29], $0x2000  }
0x7c: {  	[sflag:s29] =	ssyncset.done $0x0  }
0x7d: {  	[sflag:s29] =	ssyncadd.s32 $0xFFFFE000  }
0x7e: {  	_ =	swait.ge [sflag:s29], $0x2000  }
0x7f: {  	[sflag:s29] =	ssyncset.done $0x0  }
0x80: {  	[sflag:s29] =	ssyncadd.s32 $0xFFFFE000  }
0x81: {  	_ =	swait.ge [sflag:s29], $0x2000  }
0x82: {  	p0 =	seq.s32 s20, $0x9;
	[sflag:s29] =	ssyncset.done $0x0  }
.Ltmp8:
0x83: {  	s25 =	sadd.s32 s23, s18;
	[sflag:s29] =	ssyncadd.s32 $0xFFFFE000;
	(pc) =	sbr.rel @p0 .LBB2_15-.Ltmp8, $4  }
0x84: {  	s8 =	sshll.u32 s25, $0xA;
	_ =	swait.ge [sflag:s29], $0x2000  }
0x85: {  	s8 =	sand.u32 $0x1FFFF400, s8;
	[sflag:s29] =	ssyncset.done $0x0  }
0x86: {  	s8 =	sadd.s32 s1, s8;
	[sflag:s29] =	ssyncadd.s32 $0xFFFFE000  }
0x87: {  	[hbm4b:s8+s2] =	stream.linear.scatter [tilespmem:s17], [sflag:$0x6], $0x2000, $0x38;
	[tilespmem:$0xD000] =	vst v63  }
0x88: {  	_ =	swait.ge [sflag:s0], $0x2000  }
0x89: {  	[sflag:s0] =	ssyncset.done $0x0  }
0x8a: {  	s25 =	simm.s32 $0x100;
	s24 =	simm.s32 $0x0;
	[sflag:s0] =	ssyncadd.s32 $0xFFFFE000  }
.LBB2_13:
0x8b: {  	p1 =	sne.s32 s25, $0x7F00;
	[tilespmem:s24+$0x5030] =	vst v0;
	s8 =	smov.u32 s25;
	s25 =	sadd.s32 $0x100, s25  }
.Ltmp9:
0x8c: {  	[tilespmem:s24+$0x5020] =	vst v0;
	(pc) =	sbr.rel @p1 .LBB2_13-.Ltmp9, $3  }
0x8d: {  	[tilespmem:s24+$0x5000] =	vst v0  }
0x8e: {  	[tilespmem:s24+$0x5010] =	vst v0;
	_ =	sdelay $0x1  }
0x8f: {  	s24 =	sshra.s32 s8, $0x2  }
0x90: {  	[tilespmem:s24+$0x5030] =	vst v0  }
0x91: {  	[tilespmem:s24+$0x5020] =	vst v0;
	s8 =	sshll.u32 s20, $0xB  }
0x92: {  	[tilespmem:s24+$0x5000] =	vst v0;
	s8 =	sand.u32 $0x3FFFF800, s8  }
0x93: {  	[tilespmem:s24+$0x5010] =	vst v0;
	s25 =	sadd.s32 $0x800, s8  }
0x94: {  	[tilespmem:s13], [sflag:$0x1] =	stream.indirect.gather.add.f32 [hbm:s4], $0x40, s25, s12, $0xb8;
	[tilespmem:$0xD000] =	vst v63  }
0x95: {  	s25 =	sadd.s32 $0x880, s8  }
0x96: {  	[tilespmem:s13], [sflag:$0x1] =	stream.indirect.gather.add.f32 [hbm:s5], $0x40, s25, s12, $0xb8;
	[tilespmem:$0xD000] =	vst v63  }
0x97: {  	s25 =	sadd.s32 $0x900, s8  }
0x98: {  	[tilespmem:s13], [sflag:$0x1] =	stream.indirect.gather.add.f32 [hbm:s6], $0x40, s25, s12, $0xb8;
	[tilespmem:$0xD000] =	vst v63  }
0x99: {  	s8 =	sadd.s32 $0x980, s8  }
0x9a: {  	[tilespmem:s13], [sflag:$0x1] =	stream.indirect.gather.add.f32 [hbm:s7], $0x40, s8, s12, $0xb8;
	[tilespmem:$0xD000] =	vst v63  }
.LBB2_15:
0x9b: {  	_ =	swait.ge [sflag:s30], $0x2000  }
0x9c: {  	[sflag:s30] =	ssyncset.done $0x0  }
0x9d: {  	[sflag:s30] =	ssyncadd.s32 $0xFFFFE000  }
0x9e: {  	_ =	swait.ge [sflag:s30], $0x2000  }
0x9f: {  	[sflag:s30] =	ssyncset.done $0x0  }
0xa0: {  	[sflag:s30] =	ssyncadd.s32 $0xFFFFE000  }
0xa1: {  	_ =	swait.ge [sflag:s30], $0x2000  }
0xa2: {  	[sflag:s30] =	ssyncset.done $0x0  }
.Ltmp10:
0xa3: {  	s8 =	sadd.s32 s23, s19;
	[sflag:s30] =	ssyncadd.s32 $0xFFFFE000;
	(pc) =	sbr.rel @p0 .LBB2_19-.Ltmp10, $4  }
0xa4: {  	s8 =	sshll.u32 s8, $0xA;
	_ =	swait.ge [sflag:s30], $0x2000  }
0xa5: {  	s8 =	sand.u32 $0x1FFFF800, s8;
	[sflag:s30] =	ssyncset.done $0x0  }
0xa6: {  	s8 =	sadd.s32 s1, s8;
	[sflag:s30] =	ssyncadd.s32 $0xFFFFE000  }
0xa7: {  	[hbm4b:s8+s2] =	stream.linear.scatter [tilespmem:s22], [sflag:$0x7], $0x2000, $0x38;
	[tilespmem:$0xD000] =	vst v63  }
0xa8: {  	_ =	swait.ge [sflag:s3], $0x2000  }
0xa9: {  	[sflag:s3] =	ssyncset.done $0x0  }
0xaa: {  	s24 =	simm.s32 $0x100;
	s23 =	simm.s32 $0x0;
	[sflag:s3] =	ssyncadd.s32 $0xFFFFE000  }
.LBB2_17:
0xab: {  	p1 =	sne.s32 s24, $0x7F00;
	[tilespmem:s23+$0x7030] =	vst v0;
	s8 =	smov.u32 s24;
	s24 =	sadd.s32 $0x100, s24  }
.Ltmp11:
0xac: {  	[tilespmem:s23+$0x7020] =	vst v0;
	(pc) =	sbr.rel @p1 .LBB2_17-.Ltmp11, $3  }
0xad: {  	[tilespmem:s23+$0x7000] =	vst v0  }
0xae: {  	[tilespmem:s23+$0x7010] =	vst v0;
	_ =	sdelay $0x1  }
0xaf: {  	s23 =	sshra.s32 s8, $0x2  }
0xb0: {  	[tilespmem:s23+$0x7030] =	vst v0  }
0xb1: {  	[tilespmem:s23+$0x7020] =	vst v0;
	s8 =	sshll.u32 s20, $0xB  }
0xb2: {  	[tilespmem:s23+$0x7000] =	vst v0;
	s8 =	sand.u32 $0x3FFFF800, s8  }
0xb3: {  	[tilespmem:s23+$0x7010] =	vst v0;
	s25 =	sadd.s32 $0xA00, s8  }
0xb4: {  	[tilespmem:s17], [sflag:$0x2] =	stream.indirect.gather.add.f32 [hbm:s4], $0x40, s25, s12, $0xb8;
	[tilespmem:$0xD000] =	vst v63  }
0xb5: {  	s24 =	sadd.s32 $0xA80, s8  }
0xb6: {  	[tilespmem:s17], [sflag:$0x2] =	stream.indirect.gather.add.f32 [hbm:s5], $0x40, s24, s12, $0xb8;
	[tilespmem:$0xD000] =	vst v63  }
0xb7: {  	s25 =	sadd.s32 $0xB00, s8  }
0xb8: {  	[tilespmem:s17], [sflag:$0x2] =	stream.indirect.gather.add.f32 [hbm:s6], $0x40, s25, s12, $0xb8;
	[tilespmem:$0xD000] =	vst v63  }
0xb9: {  	s8 =	sadd.s32 $0xB80, s8  }
0xba: {  	[tilespmem:s17], [sflag:$0x2] =	stream.indirect.gather.add.f32 [hbm:s7], $0x40, s8, s12, $0xb8;
	[tilespmem:$0xD000] =	vst v63  }
.LBB2_19:
0xbb: {  	_ =	swait.ge [sflag:s31], $0x2000  }
0xbc: {  	[sflag:s31] =	ssyncset.done $0x0  }
0xbd: {  	[sflag:s31] =	ssyncadd.s32 $0xFFFFE000  }
0xbe: {  	_ =	swait.ge [sflag:s31], $0x2000  }
0xbf: {  	[sflag:s31] =	ssyncset.done $0x0  }
0xc0: {  	[sflag:s31] =	ssyncadd.s32 $0xFFFFE000  }
0xc1: {  	_ =	swait.ge [sflag:s31], $0x2000  }
0xc2: {  	[sflag:s31] =	ssyncset.done $0x0  }
.Ltmp12:
0xc3: {  	s8 =	sadd.s32 s16, s21;
	[sflag:s31] =	ssyncadd.s32 $0xFFFFE000;
	(pc) =	sbr.rel @p0 .LBB2_23-.Ltmp12, $4  }
0xc4: {  	s8 =	sshll.u32 s8, $0xA;
	_ =	swait.ge [sflag:s31], $0x2000  }
0xc5: {  	s8 =	sand.u32 $0x1FFFFC00, s8;
	[sflag:s31] =	ssyncset.done $0x0  }
0xc6: {  	s8 =	sadd.s32 s1, s8;
	[sflag:s31] =	ssyncadd.s32 $0xFFFFE000  }
0xc7: {  	[hbm4b:s8+s2] =	stream.linear.scatter [tilespmem:s28], [sflag:$0x8], $0x2000, $0x38;
	[tilespmem:$0xD000] =	vst v63  }
0xc8: {  	_ =	swait.ge [sflag:s10], $0x2000  }
0xc9: {  	[sflag:s10] =	ssyncset.done $0x0  }
0xca: {  	s23 =	simm.s32 $0x100;
	s21 =	simm.s32 $0x0;
	[sflag:s10] =	ssyncadd.s32 $0xFFFFE000  }
.LBB2_21:
0xcb: {  	p0 =	sne.s32 s23, $0x7F00;
	[tilespmem:s21+$0x9030] =	vst v0;
	s8 =	smov.u32 s23;
	s23 =	sadd.s32 $0x100, s23  }
.Ltmp13:
0xcc: {  	[tilespmem:s21+$0x9020] =	vst v0;
	(pc) =	sbr.rel @p0 .LBB2_21-.Ltmp13, $3  }
0xcd: {  	[tilespmem:s21+$0x9000] =	vst v0  }
0xce: {  	[tilespmem:s21+$0x9010] =	vst v0;
	_ =	sdelay $0x1  }
0xcf: {  	s21 =	sshra.s32 s8, $0x2  }
0xd0: {  	[tilespmem:s21+$0x9030] =	vst v0  }
0xd1: {  	[tilespmem:s21+$0x9020] =	vst v0;
	s8 =	sshll.u32 s20, $0xB  }
0xd2: {  	[tilespmem:s21+$0x9000] =	vst v0;
	s8 =	sand.u32 $0x3FFFF800, s8  }
0xd3: {  	[tilespmem:s21+$0x9010] =	vst v0;
	s23 =	sadd.s32 $0xC00, s8  }
0xd4: {  	[tilespmem:s22], [sflag:$0x3] =	stream.indirect.gather.add.f32 [hbm:s4], $0x40, s23, s12, $0xb8;
	[tilespmem:$0xD000] =	vst v63  }
0xd5: {  	s24 =	sadd.s32 $0xC80, s8  }
0xd6: {  	[tilespmem:s22], [sflag:$0x3] =	stream.indirect.gather.add.f32 [hbm:s5], $0x40, s24, s12, $0xb8;
	[tilespmem:$0xD000] =	vst v63  }
.Ltmp14:
0xd7: {  	_ = 	snop;
	(pc) =	sbr.rel .LBB2_9-.Ltmp14, $4  }
0xd8: {  	s25 =	sadd.s32 $0xD00, s8  }
0xd9: {  	[tilespmem:s22], [sflag:$0x3] =	stream.indirect.gather.add.f32 [hbm:s6], $0x40, s25, s12, $0xb8;
	[tilespmem:$0xD000] =	vst v63  }
0xda: {  	s20 =	sadd.s32 $0x1, s20;
	s8 =	sadd.s32 $0xD80, s8  }
0xdb: {  	[tilespmem:s22], [sflag:$0x3] =	stream.indirect.gather.add.f32 [hbm:s7], $0x40, s8, s12, $0xb8;
	[tilespmem:$0xD000] =	vst v63  }
.LBB2_25:
0xdc: {  	_ =	sfence.sel $0x180000  }
0xdd: {  	[bflag:$0x0] =	sbarrier.arrive $0xFFFF  }
0xde: {  	_ =	strace $0x90000047  }
0xdf: {  	s0 =	stileid.u32;
	[bflag:$0x2] =	sbarrier.arrive $0xFFFF  }
0xe0: {  	p0 =	sne.s32 s0, $0x0;
	s0 =	rddreg [dreg:$0x2]  }
0xe1: {  	s0 =	sadd.s32 @!p0 $0x100000, s0  }
0xe2: {  	[sflag:s0] =	ssyncadd.tile.s32 @!p0 $0x1;
	_ =	shalt  }
.Lfunc_end2:
_tile_overlayer_lowered:
.L_overlay_start_2:
0xe3: {  	(tag) =	ssettag $0x2  }
0xe4: {  	s0 =	rddreg [dreg:$0x0];
	s2 =	stileid.u32  }
0xe5: {  	s1 =	rddreg [dreg:$0x1];
	p0 =	sne.s32 s2, $0x0  }
0xe6: {  	s3 =	rddreg [dreg:$0x2];
	[bflag:$0x3] =	sbarrier.arrive $0xFFFF;
	s2 =	simm.s32 @!p0 $0x1C09  }
0xe7: {  	[timem:s3], [sflag:s2] =	dma.local @!p0 [hbm:s0], s1  }
0xe8: {  	s0 =	simm.s32 @!p0 $0x9  }
0xe9: {  	_ =	swait.ge @!p0 [sflag:s0], s1  }
0xea: {  	s1 =	ssub.s32 @!p0 $0x0, s1;
	[sflag:s0] =	ssyncset.done @!p0 $0x0  }
0xeb: {  	[sflag:s0] =	ssyncadd.s32 @!p0 s1  }
0xec: {  	[bflag:$0x3] =	sbarrier.arrive $0xFFFF  }
0xed: {  	_ =	shalt  }

// kernel: sparse-core-data-format-call.cloned.1.call-start
scs
called_computation_lowered:
.L_overlay_start_0:
0x0: {  	s2 =	sld [smem:$0x3FD9]  }
0x1: {  	s3 =	sld [smem:$0x3FFE];
	_ =	sdelay $0x1  }
0x2: {  	s1 =	srdreg.scid  }
0x3: {  	s0 =	sand.u32 $0x1, s1  }
0x4: {  	s18 =	sshll.u32 s0, $0xA;
	s2 =	sadd.s32 s3, s2  }
0x5: {  	s2 =	sadd.s32 s2, s18  }
0x6: {  	[smem:$0x3FB7] =	sst s2  }
0x7: {  	_ = 	snop  }
0x8: {  	s2 =	sld [smem:$0x3FD0];
	(tm) =	ssettm $0x1  }
0x9: {  	s19 =	sld [smem:$0x3FFB];
	_ =	sdelay $0x3  }
0xa: {  	_ =	strace s19  }
0xb: {  	s3 =	sld [smem:$0x3FFC];
	_ =	sdelay $0x3  }
0xc: {  	_ =	strace s3  }
0xd: {  	s3 =	sld [smem:$0x3FFD];
	_ =	sdelay $0x3  }
0xe: {  	_ =	strace s3  }
0xf: {  	_ =	strace $0x8FFFFFFF  }
0x10: {  	s20 =	sld [smem:$0x3FDB];
	_ =	sdelay $0x1  }
0x11: {  	s4 =	simm.s32 $_scs_section_size  }
0x12: {  	s5 =	simm.s32 $_size__tile_overlayer_lowered;
	s6 =	simm.s32 $_tile_overlayer_lowered  }
0x13: {  	s23 =	simm.s32 $0x1BFF;
	s22 =	sshll.u32 s6, $0x1;
	s3 =	sadd.s32 s4, s20  }
0x14: {  	s7 =	simm.s32 $0x0;
	s21 =	sshll.u32 s5, $0x1;
	s5 =	sadd.s32 s22, s3  }
0x15: {  	[timem:s7], [sflag:s23] =	dma.local [hbm:s5], s21  }
0x16: {  	_ =	swait.ge [sflag:s23], s21  }
0x17: {  	s4 =	ssub.s32 $0x0, s21;
	[sflag:s23] =	ssyncset.done $0x0  }
0x18: {  	[sflag:s23] =	ssyncadd.s32 s4;
	_ =	sdelay $0x1  }
0x19: {  	s24 =	simm.s32 $0x1B8B  }
0x1a: {  	_ =	swait.ge [sflag:s24], $0x1  }
0x1b: {  	[sflag:s24] =	ssyncset.done $0x0  }
0x1c: {  	s26 =	simm.s32 $0x1B8E;
	s25 =	sld [smem:$0x3FFE];
	[sflag:s24] =	ssyncadd.s32 $0xFFFFFFFF  }
0x1d: {  	s27 =	simm.s32 $execute0_lowered;
	[smem:$0x3FD2] =	sst s26  }
0x1e: {  	s5 =	sshll.u32 s27, $0x1;
	_ =	strace $0x80000049;
	[dreg:$0x1] =	wrdreg $0xFFFFFFFF  }
0x1f: {  	s28 =	simm.s32 $_size_execute0_lowered;
	s3 =	sadd.s32 s3, s5;
	[dreg:$0x0] =	wrdreg $0x0  }
0x20: {  	s5 =	sshll.u32 s28, $0x1;
	[dreg:$0x2] =	wrdreg s3  }
0x21: {  	[dreg:$0x3] =	wrdreg s5  }
0x22: {  	[dreg:$0x4] =	wrdreg $0xC0  }
0x23: {  	_ =	task [dreg:s7], $0x5FFFF  }
0x24: {  	[dreg:$0x1] =	wrdreg $0xFFFFFFFF  }
0x25: {  	[dreg:$0x0] =	wrdreg $0x60  }
0x26: {  	[dreg:$0x2] =	wrdreg s25  }
0x27: {  	[dreg:$0x3] =	wrdreg s2  }
0x28: {  	[dreg:$0x4] =	wrdreg $0x9  }
0x29: {  	_ =	task.clear_ibuf [dreg:s7], $0x5FFFF;
	_ =	strace $0x90000049  }
0x2a: {  	s29 =	simm.s32 $0x9;
	_ =	strace $0x8000004B  }
0x2b: {  	_ =	swait.ge [sflag:s29], $0x1  }
0x2c: {  	[sflag:s29] =	ssyncadd.s32 $0xFFFFFFFF  }
0x2d: {  	_ =	strace $0x9000004B  }
0x2e: {  	_ =	sfence  }
0x2f: {  	s30 =	sld [smem:$0x0];
	_ =	sdelay $0x2  }
0x30: {  	s31 =	sshll.u32 s1, $0xD;
	s1 =	sshrl.u32 s1, $0x2  }
0x31: {  	s3 =	sand.u32 $0x4000, s31;
	s1 =	sadd.s32 s1, s30  }
0x32: {  	s0 =	sor.u32 s3, s0;
	s1 =	sshll.u32 s1, $0x11  }
0x33: {  	s0 =	sor.u32 s1, s0  }
0x34: {  	s0 =	sadd.s32 $0x8F2B, s0  }
0x35: {  	[sflag:s0] =	ssyncadd.remote.s32 $0x1  }
0x36: {  	_ =	sfence.sel $0xFFFF  }
0x37: {  	[dreg:$0x0] =	wrdreg $0xFFFFFFFF;
	(pc) =	sbr.abs _section_cstart, $3  }
0x38: {  	[dreg:$0x1] =	wrdreg $0xFFFFFFFF  }
0x39: {  	_ =	task.clear_ibuf [dreg:s7], $0x2FFFF;
	_ =	strace $0x9FFFFFFF  }
0x3a: {  	(tm) =	ssettm $0x7FFFFFFF  }
0x3b: {  	_ =	shalt  }
tec
execute0_lowered:
.L_overlay_start_1:
0x0: {  	(tag) =	ssettag $0x1  }
0x1: {  	s0 =	srdreg.scid  }
0x2: {  	s1 =	sshll.u32 s0, $0x4  }
0x3: {  	s0 =	stileid.u32;
	s1 =	sand.u32 $0x10, s1  }
0x4: {  	s1 =	sor.u32 s0, s1  }
0x5: {  	s6 =	rddreg [dreg:$0x0];
	s4 =	simm.s32 $0x1;
	s2 =	sshll.u32 s1, $0x7  }
0x6: {  	s7 =	simm.s32 $0x2;
	s12 =	simm.s32 $0x0;
	s1 =	ssub.s32 $0x1000, s2  }
0x7: {  	s8 =	simm.s32 $0x8000;
	s13 =	simm.s32 $0x0;
	s3 =	sand.u32 $0xF80, s1  }
0x8: {  	s9 =	simm.s32 $0x0;
	s5 =	sshrl.u32 s1, $0xC;
	p0 =	sne.s32 s3, $0x0  }
.Ltmp0:
0x9: {  	s1 =	rddreg [dreg:$0x2];
	s4 =	simm.s32 @!p0 $0x0;
	(pc) =	sbr.rel .LBB1_1-.Ltmp0, $4  }
0xa: {  	s11 =	simm.s32 $0x0;
	s3 =	rddreg [dreg:$0x1];
	s5 =	sadd.s32 s4, s5  }
0xb: {  	_ =	strace $0x8000004A;
	s4 =	simm.s32 $0x1;
	s5 =	smul.u32 $0xC8, s5  }
0xc: {  	s6 =	sadd.s32 $0xD21C00, s6;
	s10 =	smov.u32 s2;
	[sflag:s4] =	ssyncpa.u1 $0x0  }
0xd: {  	p0 =	por $0x0, $0x0;
	[sflag:s7] =	ssyncpa.u1 $0x0;
	s7 =	sor.u32 $0x1, s5  }
.LBB1_4:
0xe: {  	s16 =	sshll.u32 s13, $0x3;
	s17 =	sand.u32 $0x78, s13  }
0xf: {  	s30 =	sand.u32 $0x7E00, s13;
	s12 =	sshll.u32 s12, $0xF;
	s16 =	sand.u32 $0xC00, s16  }
0x10: {  	[tilespmem:s15+$0x810 ss:$0x81] =	vst.msk $0xffff, v2;
	s31 =	sand.u32 $0x7, s13;
	s16 =	sor.u32 s17, s16;
	s17 =	sadd.s32 s3, s30  }
0x11: {  	[tilespmem:s15+$0x1020 ss:$0x81] =	vst.msk $0xffff, v0;
	s13 =	sshll.u32 s31, $0x12;
	s12 =	sadd.s32 s12, s17;
	s16 =	sshrl.u32 s16, $0x3  }
0x12: {  	[tilespmem:s15+$0x0 ss:$0x81] =	vst.msk $0xffff, v1;
	s13 =	sor.u32 $0x400, s13;
	s12 =	sadd.s32 s16, s12  }
0x13: {  	[hbm4b:s12+s13] =	stream.strided.scatter [tilespmem:s14], [sflag:$0x2], $0x2000, s8, s13, $0x20;
	[tilespmem:$0x8080] =	vst v63  }
.LBB1_5:
0x14: {  	s14 =	sadd.s32 $0x1, s9  }
0x15: {  	s12 =	sadd.s32 $0x1000, s10;
	s16 =	smov.u32 s10;
	p2 =	sgt.s32 s14, $0xC7  }
0x16: {  	s16 =	smov.u32 @p2 s12  }
0x17: {  	s14 =	simm.s32 @p2 $0x0;
	p2 =	sgt.s32 s16, $0xFFF  }
0x18: {  	s16 =	smov.u32 @p2 s2;
	p2 =	sne.s32 s11, s7  }
.Ltmp1:
0x19: {  	p1 =	slt.u32 s11, $0x2;
	(pc) =	sbr.rel @!p2 .LBB1_6-.Ltmp1, $4  }
0x1a: {  	s15 =	simm.s32 @!p1 $0x2  }
0x1b: {  	s13 =	smov.u32 s10;
	p0 =	por !p0, !p0;
	_ =	swait.ge @!p1 [sflag:s15], $0x2000  }
0x1c: {  	s12 =	smov.u32 s9;
	[sflag:s15] =	ssyncset.done @!p1 $0x0;
	s9 =	smov.u32 s14  }
0x1d: {  	s11 =	sadd.s32 $0x1, s11;
	[sflag:s15] =	ssyncadd.s32 @!p1 $0xFFFFE000;
	s10 =	smov.u32 s16  }
.LBB1_1:
0x1e: {  	p1 =	sge.u32 s11, s5  }
0x1f: {  	s14 =	sand.u32 @!p1 $0x1FFFFFF, s9  }
0x20: {  	s15 =	smulhi.u32 @!p1 $0x147AE15, s14;
	_ =	sdelay $0x1  }
0x21: {  	s15 =	smul.u32 @!p1 $0xC8, s15  }
0x22: {  	s16 =	sxor.u32 @!p1 $0xFFFFFFFF, s11;
	s17 =	smul.u32 @!p1 $0xC80, s10  }
0x23: {  	s31 =	sadd.s32 $0xFFFFFFFF, s11;
	s16 =	sshll.u32 @!p1 s16, $0xD;
	s14 =	ssub.s32 @!p1 s14, s15  }
0x24: {  	s15 =	sand.u32 @!p1 $0x2000, s16;
	s16 =	sadd.s32 @!p1 s6, s17;
	s14 =	sshll.u32 @!p1 s14, $0x4  }
0x25: {  	s17 =	simm.s32 @!p1 $0x6400;
	s14 =	sadd.s32 @!p1 s14, s16;
	s16 =	simm.s32 @!p1 $0x40  }
0x26: {  	[tilespmem:s15], [sflag:$0x1] =	stream.strided.gather @!p1 [hbm4b:s14+s16], $0x2000, s17, s16, $0x38;
	[tilespmem:$0x8080] =	vst v63  }
0x27: {  	p1 =	sge.u32 s31, s5  }
.Ltmp2:
0x28: {  	_ = 	snop;
	(pc) =	sbr.rel @p1 .LBB1_5-.Ltmp2, $1  }
0x29: {  	_ =	sdelay $0x3  }
0x2a: {  	s14 =	simm.s32 $0x1  }
0x2b: {  	_ =	swait.ge [sflag:s4], $0x2000;
	s14 =	simm.s32 @!p0 $0x0  }
0x2c: {  	[sflag:s4] =	ssyncset.done $0x0;
	s15 =	sshll.u32 s14, $0xD  }
0x2d: {  	[sflag:s4] =	ssyncadd.s32 $0xFFFFE000;
	s18 =	sor.u32 $0x20, s15  }
0x2e: {  	s14 =	smul.u32 $0x8100, s14;
	v3 =	vld [tilespmem:s18+$0x10]  }
0x2f: {  	s30 =	sand.u32 $0x1, s11;
	v2 =	vld [tilespmem:s18+$0xFFFFFFF0]  }
0x30: {  	s15 =	smul.u32 $0x8100, s30;
	s14 =	sshrl.u32 s14, $0x2;
	v0 =	vld [tilespmem:s18+$0x0]  }
0x31: {  	v1 =	vld [tilespmem:s18+$0xFFFFFFE0];
	s16 =	sor.u32 $0x4000, s14  }
0x32: {  	s31 =	sshrl.u32 s15, $0x2;
	s15 =	sadd.s32 $0x0, s16  }
0x33: {  	s17 =	simm.s32 $0x4;
	s18 =	sadd.s32 $0x40, s18;
	s14 =	sor.u32 $0x4000, s31;
	[tilespmem:s15+$0x1830 ss:$0x81] =	vst.msk $0xffff, v3  }
.LBB1_3:
0x34: {  	v3 =	vld [tilespmem:s18+$0x10];
	p1 =	sne.s32 s17, $0x1FC;
	[tilespmem:s15+$0x810 ss:$0x81] =	vst.msk $0xffff, v2;
	s19 =	smov.u32 s17;
	s17 =	sadd.s32 $0x4, s17  }
.Ltmp3:
0x35: {  	v2 =	vld [tilespmem:s18+$0xFFFFFFF0];
	[tilespmem:s15+$0x1020 ss:$0x81] =	vst.msk $0xffff, v0;
	(pc) =	sbr.rel @p1 .LBB1_3-.Ltmp3, $4  }
0x36: {  	v0 =	vld [tilespmem:s18+$0x0];
	[tilespmem:s15+$0x0 ss:$0x81] =	vst.msk $0xffff, v1  }
0x37: {  	s15 =	sshra.s32 s19, $0x2;
	v1 =	vld [tilespmem:s18+$0xFFFFFFE0]  }
0x38: {  	s15 =	sadd.s32 s15, s16  }
0x39: {  	s18 =	sadd.s32 $0x40, s18;
	[tilespmem:s15+$0x1830 ss:$0x81] =	vst.msk $0xffff, v3  }
.Ltmp4:
0x3a: {  	_ = 	snop;
	(pc) =	sbr.rel .LBB1_4-.Ltmp4, $1  }
0x3b: {  	_ =	sdelay $0x3  }
.LBB1_6:
0x3c: {  	_ =	sfence.sel $0x180000  }
0x3d: {  	s2 =	simm.s32 $0x1;
	[bflag:$0x0] =	sbarrier.arrive $0xFFFF  }
0x3e: {  	s31 =	simm.s32 $0x2;
	[sflag:s2] =	ssyncpa.u1 $0x1  }
0x3f: {  	[sflag:s31] =	ssyncpa.u1 $0x1  }
0x40: {  	p0 =	sne.s32 s0, $0x0;
	_ =	strace $0x9000004A  }
0x41: {  	s0 =	sadd.s32 @!p0 $0x100000, s1;
	[bflag:$0x2] =	sbarrier.arrive $0xFFFF  }
0x42: {  	[sflag:s0] =	ssyncadd.tile.s32 @!p0 $0x1;
	_ =	shalt  }
.Lfunc_end1:
_tile_overlayer_lowered:
.L_overlay_start_2:
0x43: {  	(tag) =	ssettag $0x2  }
0x44: {  	s0 =	rddreg [dreg:$0x0];
	s2 =	stileid.u32  }
0x45: {  	s1 =	rddreg [dreg:$0x1];
	p0 =	sne.s32 s2, $0x0  }
0x46: {  	s3 =	rddreg [dreg:$0x2];
	[bflag:$0x3] =	sbarrier.arrive $0xFFFF;
	s2 =	simm.s32 @!p0 $0x1C01  }
0x47: {  	[timem:s3], [sflag:s2] =	dma.local @!p0 [hbm:s0], s1  }
0x48: {  	s0 =	simm.s32 @!p0 $0x1  }
0x49: {  	_ =	swait.ge @!p0 [sflag:s0], s1  }
0x4a: {  	s1 =	ssub.s32 @!p0 $0x0, s1;
	[sflag:s0] =	ssyncset.done @!p0 $0x0  }
0x4b: {  	[sflag:s0] =	ssyncadd.s32 @!p0 s1  }
0x4c: {  	[bflag:$0x3] =	sbarrier.arrive $0xFFFF  }
0x4d: {  	_ =	shalt  }

</sc_bundles>
